<compile_context>
chip_gen: v7x
topology: tpu7x:2x2x1
jax: 0.10.2.dev20260603
libtpu: 0.0.44.dev20260713+nightly
codegen_flags: <defaults>
</compile_context>

<pallas_src>
import jax
import jax.numpy as jnp
from jax import lax
from jax.experimental import pallas as pl
from jax.experimental.pallas import tpu as pltpu
from jax.experimental.pallas import tpu_sc as plsc

N = 16384
C = 1000
L = 16
NS = 16
SPW = N // NS
G = 128
NG = SPW // G


def _nll_body(lp_hbm, tgt_hbm, out_hbm, refs):
    (tgt_v, idx_bufs, got_bufs, my_v, rb_v, row0_v, comb_v, shared,
     sem) = refs
    sid = lax.axis_index("s")
    base = sid * SPW

    pltpu.sync_copy(tgt_hbm.at[pl.ds(base, SPW)], tgt_v)

    lanes = lax.iota(jnp.int32, L)
    for g in range(NG):
        def idx_step(k, _, g=g):
            off = g * G + k * L
            t = tgt_v[pl.ds(off, L)]
            n = lanes + (base + off)
            idx_bufs[g][pl.ds(k * L, L)] = (
                ((t >> 3) * 128 + (n >> 7)) * 1024 + (t & 7) * 128
                + (n & 127))
            return 0
        lax.fori_loop(0, G // L, idx_step, 0)
        pltpu.async_copy(lp_hbm.at[idx_bufs[g]], got_bufs[g], sem)

    acc = jnp.zeros((L,), jnp.float32)
    for g in range(NG):
        pltpu.make_async_copy(
            lp_hbm.at[idx_bufs[g]], got_bufs[g], sem).wait()

        def sum_step(k, a, g=g):
            return a + got_bufs[g][pl.ds(k * L, L)]
        acc = lax.fori_loop(0, G // L, sum_step, acc)
    my_v[...] = acc

    @pl.when(sid == 0)
    def _():
        rb_v[...] = jnp.zeros((L,), jnp.float32)
        pltpu.sync_copy(rb_v, shared.at[0])
    plsc.subcore_barrier()

    row0_v[...] = lax.iota(jnp.int32, L)
    comb_v[0, :] = my_v[...]
    for i in range(1, NS):
        comb_v[i, :] = jnp.zeros((L,), jnp.float32)
    pltpu.sync_copy(comb_v, shared.at[row0_v], add=True)
    plsc.subcore_barrier()

    @pl.when(sid == 0)
    def _():
        pltpu.sync_copy(shared.at[0], rb_v)
        loss = jnp.sum(rb_v[...]) * (-1.0 / N)
        my_v[...] = jnp.full((L,), loss, jnp.float32)
        pltpu.sync_copy(my_v, out_hbm)


@jax.jit
def _nll_sc(lp_lin, tgt):
    mesh = plsc.VectorSubcoreMesh(
        core_axis_name="c", subcore_axis_name="s", num_cores=1)
    run = pl.kernel(
        _nll_body,
        mesh=mesh,
        out_type=jax.ShapeDtypeStruct((L,), jnp.float32),
        scratch_types=[(
            pltpu.VMEM((SPW,), jnp.int32),
            tuple(pltpu.VMEM((G,), jnp.int32) for _ in range(NG)),
            tuple(pltpu.VMEM((G,), jnp.float32) for _ in range(NG)),
            pltpu.VMEM((L,), jnp.float32),
            pltpu.VMEM((L,), jnp.float32),
            pltpu.VMEM((L,), jnp.int32),
            pltpu.VMEM((NS, L), jnp.float32),
            pltpu.VMEM_SHARED((NS, L), jnp.float32),
            pltpu.SemaphoreType.DMA,
        )],
        compiler_params=pltpu.CompilerParams(needs_layout_passes=False),
    )
    return run(lp_lin, tgt)


def kernel(logprob, target):
    lp_lin = (logprob.T.reshape(C // 8, 8, N // 128, 128)
              .transpose(0, 2, 1, 3).reshape(-1))
    tgt = target.astype(jnp.int32)
    return _nll_sc(lp_lin, tgt)[0]

# --- scband reference (transcript-rebuilt; emitter-appended) ---
"""Pipeline reference for scband-nllloss-36438502539294 (READ-ONLY COPY).

The authoritative reference and input builder live on the scoring server;
editing this copy changes nothing except your own understanding.
"""

import jax, jax.numpy as jnp
import numpy as np

N = 16384
C = 1000

def setup_inputs(seed: int = 0) -> dict:
    key = jax.random.key(seed)
    k1, k2 = jax.random.split(key)
    logprob = jax.random.normal(k1, (N, C), dtype=jnp.float32)
    target = jax.random.randint(k2, (N,), 0, C, dtype=jnp.int64)
    return {"logprob": logprob, "target": target}

def reference(logprob, target):
    # torch.nn.functional.nll_loss with default reduction='mean':
    # loss = -mean_n logprob[n, target[n]]
    picked = jnp.take_along_axis(logprob, target[:, None].astype(jnp.int32), axis=1)[:, 0]
    loss = -jnp.mean(picked)
    # focal=False, so no focal modulation
    return loss

if __name__ == "__main__":
    import jax
    _d = setup_inputs()
    print(jax.jit(kernel)(*tuple(_d.values())))

</pallas_src>

<mosaic_0001>
#map = affine_map<(d0, d1) -> (0)>
module attributes {stable_mosaic.version = 14 : i64} {
  func.func @_nll_body(%arg0: i32, %arg1: i32, %arg2: memref<16384000xf32, #tpu.memory_space<hbm>>, %arg3: memref<16384xi32, #tpu.memory_space<hbm>>, %arg4: memref<16xf32, #tpu.memory_space<hbm>>, %arg5: memref<1024xi32, #tpu.memory_space<vmem>>, %arg6: memref<128xi32, #tpu.memory_space<vmem>>, %arg7: memref<128xi32, #tpu.memory_space<vmem>>, %arg8: memref<128xi32, #tpu.memory_space<vmem>>, %arg9: memref<128xi32, #tpu.memory_space<vmem>>, %arg10: memref<128xi32, #tpu.memory_space<vmem>>, %arg11: memref<128xi32, #tpu.memory_space<vmem>>, %arg12: memref<128xi32, #tpu.memory_space<vmem>>, %arg13: memref<128xi32, #tpu.memory_space<vmem>>, %arg14: memref<128xf32, #tpu.memory_space<vmem>>, %arg15: memref<128xf32, #tpu.memory_space<vmem>>, %arg16: memref<128xf32, #tpu.memory_space<vmem>>, %arg17: memref<128xf32, #tpu.memory_space<vmem>>, %arg18: memref<128xf32, #tpu.memory_space<vmem>>, %arg19: memref<128xf32, #tpu.memory_space<vmem>>, %arg20: memref<128xf32, #tpu.memory_space<vmem>>, %arg21: memref<128xf32, #tpu.memory_space<vmem>>, %arg22: memref<16xf32, #tpu.memory_space<vmem>>, %arg23: memref<16xf32, #tpu.memory_space<vmem>>, %arg24: memref<16xi32, #tpu.memory_space<vmem>>, %arg25: memref<16x16xf32, #tpu.memory_space<vmem>>, %arg26: memref<16x16xf32, #tpu.memory_space<vmem_shared>>, %arg27: memref<!tpu.dma_semaphore, #tpu.memory_space<semaphore_mem>>) attributes {dimension_semantics = [#tpu.dimension_semantics<core_parallel>, #tpu.dimension_semantics<subcore_parallel>], iteration_bounds = array<i64: 1, 16>, scalar_prefetch = 0 : i64, scratch_operands = 23 : i64, tpu.core_type = #tpu.core_type<sc_vector_subcore>, window_params = [{transform_indices = #map}, {transform_indices = #map}, {transform_indices = #map}]} {
    %mul3A = arith.constant 1024 : i32
    %mul3A_0 = arith.muli %arg1, %mul3A : i32
    "tpu.region"() ({
      %run_scoped3A = tpu.sem_alloc : memref<!tpu.dma_semaphore, #tpu.memory_space<semaphore_mem>>
      %dma_start3A_242 = tpu.memref_slice %arg3[%mul3A_0] : memref<16384xi32, #tpu.memory_space<hbm>> -> memref<1024xi32, #tpu.memory_space<hbm>>
      %dma_start3A_243 = tpu.memref_slice %arg3[%mul3A_0] : memref<16384xi32, #tpu.memory_space<hbm>> -> memref<1024xi32, #tpu.memory_space<hbm>>
      tpu.enqueue_dma source(%dma_start3A_243 : memref<1024xi32, #tpu.memory_space<hbm>>) target(%arg5 : memref<1024xi32, #tpu.memory_space<vmem>>) target_semaphore(%run_scoped3A : memref<!tpu.dma_semaphore, #tpu.memory_space<semaphore_mem>>)
      %dma_wait3A_244 = tpu.memref_slice %arg3[%mul3A_0] : memref<16384xi32, #tpu.memory_space<hbm>> -> memref<1024xi32, #tpu.memory_space<hbm>>
      %dma_wait3A_245 = tpu.memref_slice %arg3[%mul3A_0] : memref<16384xi32, #tpu.memory_space<hbm>> -> memref<1024xi32, #tpu.memory_space<hbm>>
      tpu.wait_dma2 semaphore(%run_scoped3A : memref<!tpu.dma_semaphore, #tpu.memory_space<semaphore_mem>>) src(%dma_wait3A_245 : memref<1024xi32, #tpu.memory_space<hbm>>) dst(%arg5 : memref<1024xi32, #tpu.memory_space<vmem>>)
      tpu.yield
    }) : () -> ()
    %iota3A = tpu.iota {dimensions = array<i32: 0>} : vector<16xi32>
    %scan3A = arith.constant 0 : i32
    %scan3A_1 = arith.constant 0 : i32
    %scan3A_2 = arith.constant 8 : i32
    %scan3A_3 = arith.addi %scan3A_1, %scan3A_2 : i32
    %scan3A_4 = arith.constant 1 : i32
    %scan3A_5 = scf.for %scan3A_242 = %scan3A_1 to %scan3A_3 step %scan3A_4 iter_args(%scan3A_243 = %scan3A) -> (i32)  : i32 {
      %mul3A_244 = arith.constant 16 : i32
      %mul3A_245 = arith.muli %scan3A_242, %mul3A_244 : i32
      %add3A = arith.constant 0 : i32
      %add3A_246 = arith.addi %add3A, %mul3A_245 : i32
      %get3A_247 = arith.index_cast %add3A_246 : i32 to index
      %get3A_248 = tpu.vector_load %arg5[%get3A_247] {strides = array<i32>} : memref<1024xi32, #tpu.memory_space<vmem>>, vector<16xi32>,
      %add3A_249 = arith.addi %mul3A_0, %add3A_246 : i32
      %add3A_250 = vector.broadcast %add3A_249 : i32 to vector<16xi32>
      %add3A_251 = arith.addi %iota3A, %add3A_250 : vector<16xi32>
      %shift_right_arithmetic3A = arith.constant 3 : i32
      %shift_right_arithmetic3A_252 = vector.broadcast %shift_right_arithmetic3A : i32 to vector<16xi32>
      %shift_right_arithmetic3A_253 = arith.shrsi %get3A_248, %shift_right_arithmetic3A_252 : vector<16xi32>
      %mul3A_254 = arith.constant 128 : i32
      %mul3A_255 = vector.broadcast %mul3A_254 : i32 to vector<16xi32>
      %mul3A_256 = arith.muli %shift_right_arithmetic3A_253, %mul3A_255 : vector<16xi32>
      %shift_right_arithmetic3A_257 = arith.constant 7 : i32
      %shift_right_arithmetic3A_258 = vector.broadcast %shift_right_arithmetic3A_257 : i32 to vector<16xi32>
      %shift_right_arithmetic3A_259 = arith.shrsi %add3A_251, %shift_right_arithmetic3A_258 : vector<16xi32>
      %add3A_260 = arith.addi %mul3A_256, %shift_right_arithmetic3A_259 : vector<16xi32>
      %mul3A_261 = arith.constant 1024 : i32
      %mul3A_262 = vector.broadcast %mul3A_261 : i32 to vector<16xi32>
      %mul3A_263 = arith.muli %add3A_260, %mul3A_262 : vector<16xi32>
      %and3A = arith.constant 7 : i32
      %and3A_264 = vector.broadcast %and3A : i32 to vector<16xi32>
      %and3A_265 = arith.andi %get3A_248, %and3A_264 : vector<16xi32>
      %mul3A_266 = arith.constant 128 : i32
      %mul3A_267 = vector.broadcast %mul3A_266 : i32 to vector<16xi32>
      %mul3A_268 = arith.muli %and3A_265, %mul3A_267 : vector<16xi32>
      %add3A_269 = arith.addi %mul3A_263, %mul3A_268 : vector<16xi32>
      %and3A_270 = arith.constant 127 : i32
      %and3A_271 = vector.broadcast %and3A_270 : i32 to vector<16xi32>
      %and3A_272 = arith.andi %add3A_251, %and3A_271 : vector<16xi32>
      %add3A_273 = arith.addi %add3A_269, %and3A_272 : vector<16xi32>
      %mul3A_274 = arith.constant 16 : i32
      %mul3A_275 = arith.muli %scan3A_242, %mul3A_274 : i32
      %swap3A_276 = arith.index_cast %mul3A_275 : i32 to index
      %swap3A_277 = tpu.vector_load %arg6[%swap3A_276] {strides = array<i32>} : memref<128xi32, #tpu.memory_space<vmem>>, vector<16xi32>,
      tpu.vector_store %arg6[%swap3A_276], %add3A_273 {strides = array<i32>} : memref<128xi32, #tpu.memory_space<vmem>>, vector<16xi32>,
      %scan3A_278 = arith.constant 0 : i32
      scf.yield %scan3A_278 : i32
    }
    %scan3A_6 = arith.constant 8 : i32
    %dma_start3A = arith.constant 0 : i32
    %dma_start3A_7 = tpu.memref_slice %arg2[%dma_start3A] : memref<16384000xf32, #tpu.memory_space<hbm>> -> memref<16384000xf32, #tpu.memory_space<hbm>>
    tpu.enqueue_indirect_dma source(%dma_start3A_7 : memref<16384000xf32, #tpu.memory_space<hbm>>) target(%arg14 : memref<128xf32, #tpu.memory_space<vmem>>) offsets(%arg6 : memref<128xi32, #tpu.memory_space<vmem>>) semaphore(%arg27 : memref<!tpu.dma_semaphore, #tpu.memory_space<semaphore_mem>>)
    %scan3A_8 = arith.constant 0 : i32
    %scan3A_9 = arith.constant 0 : i32
    %scan3A_10 = arith.constant 8 : i32
    %scan3A_11 = arith.addi %scan3A_9, %scan3A_10 : i32
    %scan3A_12 = arith.constant 1 : i32
    %scan3A_13 = scf.for %scan3A_242 = %scan3A_9 to %scan3A_11 step %scan3A_12 iter_args(%scan3A_243 = %scan3A_8) -> (i32)  : i32 {
      %mul3A_244 = arith.constant 16 : i32
      %mul3A_245 = arith.muli %scan3A_242, %mul3A_244 : i32
      %add3A = arith.constant 128 : i32
      %add3A_246 = arith.addi %add3A, %mul3A_245 : i32
      %get3A_247 = arith.index_cast %add3A_246 : i32 to index
      %get3A_248 = tpu.vector_load %arg5[%get3A_247] {strides = array<i32>} : memref<1024xi32, #tpu.memory_space<vmem>>, vector<16xi32>,
      %add3A_249 = arith.addi %mul3A_0, %add3A_246 : i32
      %add3A_250 = vector.broadcast %add3A_249 : i32 to vector<16xi32>
      %add3A_251 = arith.addi %iota3A, %add3A_250 : vector<16xi32>
      %shift_right_arithmetic3A = arith.constant 3 : i32
      %shift_right_arithmetic3A_252 = vector.broadcast %shift_right_arithmetic3A : i32 to vector<16xi32>
      %shift_right_arithmetic3A_253 = arith.shrsi %get3A_248, %shift_right_arithmetic3A_252 : vector<16xi32>
      %mul3A_254 = arith.constant 128 : i32
      %mul3A_255 = vector.broadcast %mul3A_254 : i32 to vector<16xi32>
      %mul3A_256 = arith.muli %shift_right_arithmetic3A_253, %mul3A_255 : vector<16xi32>
      %shift_right_arithmetic3A_257 = arith.constant 7 : i32
      %shift_right_arithmetic3A_258 = vector.broadcast %shift_right_arithmetic3A_257 : i32 to vector<16xi32>
      %shift_right_arithmetic3A_259 = arith.shrsi %add3A_251, %shift_right_arithmetic3A_258 : vector<16xi32>
      %add3A_260 = arith.addi %mul3A_256, %shift_right_arithmetic3A_259 : vector<16xi32>
      %mul3A_261 = arith.constant 1024 : i32
      %mul3A_262 = vector.broadcast %mul3A_261 : i32 to vector<16xi32>
      %mul3A_263 = arith.muli %add3A_260, %mul3A_262 : vector<16xi32>
      %and3A = arith.constant 7 : i32
      %and3A_264 = vector.broadcast %and3A : i32 to vector<16xi32>
      %and3A_265 = arith.andi %get3A_248, %and3A_264 : vector<16xi32>
      %mul3A_266 = arith.constant 128 : i32
      %mul3A_267 = vector.broadcast %mul3A_266 : i32 to vector<16xi32>
      %mul3A_268 = arith.muli %and3A_265, %mul3A_267 : vector<16xi32>
      %add3A_269 = arith.addi %mul3A_263, %mul3A_268 : vector<16xi32>
      %and3A_270 = arith.constant 127 : i32
      %and3A_271 = vector.broadcast %and3A_270 : i32 to vector<16xi32>
      %and3A_272 = arith.andi %add3A_251, %and3A_271 : vector<16xi32>
      %add3A_273 = arith.addi %add3A_269, %and3A_272 : vector<16xi32>
      %mul3A_274 = arith.constant 16 : i32
      %mul3A_275 = arith.muli %scan3A_242, %mul3A_274 : i32
      %swap3A_276 = arith.index_cast %mul3A_275 : i32 to index
      %swap3A_277 = tpu.vector_load %arg7[%swap3A_276] {strides = array<i32>} : memref<128xi32, #tpu.memory_space<vmem>>, vector<16xi32>,
      tpu.vector_store %arg7[%swap3A_276], %add3A_273 {strides = array<i32>} : memref<128xi32, #tpu.memory_space<vmem>>, vector<16xi32>,
      %scan3A_278 = arith.constant 0 : i32
      scf.yield %scan3A_278 : i32
    }
    %scan3A_14 = arith.constant 8 : i32
    %dma_start3A_15 = arith.constant 0 : i32
    %dma_start3A_16 = tpu.memref_slice %arg2[%dma_start3A_15] : memref<16384000xf32, #tpu.memory_space<hbm>> -> memref<16384000xf32, #tpu.memory_space<hbm>>
    tpu.enqueue_indirect_dma source(%dma_start3A_16 : memref<16384000xf32, #tpu.memory_space<hbm>>) target(%arg15 : memref<128xf32, #tpu.memory_space<vmem>>) offsets(%arg7 : memref<128xi32, #tpu.memory_space<vmem>>) semaphore(%arg27 : memref<!tpu.dma_semaphore, #tpu.memory_space<semaphore_mem>>)
    %scan3A_17 = arith.constant 0 : i32
    %scan3A_18 = arith.constant 0 : i32
    %scan3A_19 = arith.constant 8 : i32
    %scan3A_20 = arith.addi %scan3A_18, %scan3A_19 : i32
    %scan3A_21 = arith.constant 1 : i32
    %scan3A_22 = scf.for %scan3A_242 = %scan3A_18 to %scan3A_20 step %scan3A_21 iter_args(%scan3A_243 = %scan3A_17) -> (i32)  : i32 {
      %mul3A_244 = arith.constant 16 : i32
      %mul3A_245 = arith.muli %scan3A_242, %mul3A_244 : i32
      %add3A = arith.constant 256 : i32
      %add3A_246 = arith.addi %add3A, %mul3A_245 : i32
      %get3A_247 = arith.index_cast %add3A_246 : i32 to index
      %get3A_248 = tpu.vector_load %arg5[%get3A_247] {strides = array<i32>} : memref<1024xi32, #tpu.memory_space<vmem>>, vector<16xi32>,
      %add3A_249 = arith.addi %mul3A_0, %add3A_246 : i32
      %add3A_250 = vector.broadcast %add3A_249 : i32 to vector<16xi32>
      %add3A_251 = arith.addi %iota3A, %add3A_250 : vector<16xi32>
      %shift_right_arithmetic3A = arith.constant 3 : i32
      %shift_right_arithmetic3A_252 = vector.broadcast %shift_right_arithmetic3A : i32 to vector<16xi32>
      %shift_right_arithmetic3A_253 = arith.shrsi %get3A_248, %shift_right_arithmetic3A_252 : vector<16xi32>
      %mul3A_254 = arith.constant 128 : i32
      %mul3A_255 = vector.broadcast %mul3A_254 : i32 to vector<16xi32>
      %mul3A_256 = arith.muli %shift_right_arithmetic3A_253, %mul3A_255 : vector<16xi32>
      %shift_right_arithmetic3A_257 = arith.constant 7 : i32
      %shift_right_arithmetic3A_258 = vector.broadcast %shift_right_arithmetic3A_257 : i32 to vector<16xi32>
      %shift_right_arithmetic3A_259 = arith.shrsi %add3A_251, %shift_right_arithmetic3A_258 : vector<16xi32>
      %add3A_260 = arith.addi %mul3A_256, %shift_right_arithmetic3A_259 : vector<16xi32>
      %mul3A_261 = arith.constant 1024 : i32
      %mul3A_262 = vector.broadcast %mul3A_261 : i32 to vector<16xi32>
      %mul3A_263 = arith.muli %add3A_260, %mul3A_262 : vector<16xi32>
      %and3A = arith.constant 7 : i32
      %and3A_264 = vector.broadcast %and3A : i32 to vector<16xi32>
      %and3A_265 = arith.andi %get3A_248, %and3A_264 : vector<16xi32>
      %mul3A_266 = arith.constant 128 : i32
      %mul3A_267 = vector.broadcast %mul3A_266 : i32 to vector<16xi32>
      %mul3A_268 = arith.muli %and3A_265, %mul3A_267 : vector<16xi32>
      %add3A_269 = arith.addi %mul3A_263, %mul3A_268 : vector<16xi32>
      %and3A_270 = arith.constant 127 : i32
      %and3A_271 = vector.broadcast %and3A_270 : i32 to vector<16xi32>
      %and3A_272 = arith.andi %add3A_251, %and3A_271 : vector<16xi32>
      %add3A_273 = arith.addi %add3A_269, %and3A_272 : vector<16xi32>
      %mul3A_274 = arith.constant 16 : i32
      %mul3A_275 = arith.muli %scan3A_242, %mul3A_274 : i32
      %swap3A_276 = arith.index_cast %mul3A_275 : i32 to index
      %swap3A_277 = tpu.vector_load %arg8[%swap3A_276] {strides = array<i32>} : memref<128xi32, #tpu.memory_space<vmem>>, vector<16xi32>,
      tpu.vector_store %arg8[%swap3A_276], %add3A_273 {strides = array<i32>} : memref<128xi32, #tpu.memory_space<vmem>>, vector<16xi32>,
      %scan3A_278 = arith.constant 0 : i32
      scf.yield %scan3A_278 : i32
    }
    %scan3A_23 = arith.constant 8 : i32
    %dma_start3A_24 = arith.constant 0 : i32
    %dma_start3A_25 = tpu.memref_slice %arg2[%dma_start3A_24] : memref<16384000xf32, #tpu.memory_space<hbm>> -> memref<16384000xf32, #tpu.memory_space<hbm>>
    tpu.enqueue_indirect_dma source(%dma_start3A_25 : memref<16384000xf32, #tpu.memory_space<hbm>>) target(%arg16 : memref<128xf32, #tpu.memory_space<vmem>>) offsets(%arg8 : memref<128xi32, #tpu.memory_space<vmem>>) semaphore(%arg27 : memref<!tpu.dma_semaphore, #tpu.memory_space<semaphore_mem>>)
    %scan3A_26 = arith.constant 0 : i32
    %scan3A_27 = arith.constant 0 : i32
    %scan3A_28 = arith.constant 8 : i32
    %scan3A_29 = arith.addi %scan3A_27, %scan3A_28 : i32
    %scan3A_30 = arith.constant 1 : i32
    %scan3A_31 = scf.for %scan3A_242 = %scan3A_27 to %scan3A_29 step %scan3A_30 iter_args(%scan3A_243 = %scan3A_26) -> (i32)  : i32 {
      %mul3A_244 = arith.constant 16 : i32
      %mul3A_245 = arith.muli %scan3A_242, %mul3A_244 : i32
      %add3A = arith.constant 384 : i32
      %add3A_246 = arith.addi %add3A, %mul3A_245 : i32
      %get3A_247 = arith.index_cast %add3A_246 : i32 to index
      %get3A_248 = tpu.vector_load %arg5[%get3A_247] {strides = array<i32>} : memref<1024xi32, #tpu.memory_space<vmem>>, vector<16xi32>,
      %add3A_249 = arith.addi %mul3A_0, %add3A_246 : i32
      %add3A_250 = vector.broadcast %add3A_249 : i32 to vector<16xi32>
      %add3A_251 = arith.addi %iota3A, %add3A_250 : vector<16xi32>
      %shift_right_arithmetic3A = arith.constant 3 : i32
      %shift_right_arithmetic3A_252 = vector.broadcast %shift_right_arithmetic3A : i32 to vector<16xi32>
      %shift_right_arithmetic3A_253 = arith.shrsi %get3A_248, %shift_right_arithmetic3A_252 : vector<16xi32>
      %mul3A_254 = arith.constant 128 : i32
      %mul3A_255 = vector.broadcast %mul3A_254 : i32 to vector<16xi32>
      %mul3A_256 = arith.muli %shift_right_arithmetic3A_253, %mul3A_255 : vector<16xi32>
      %shift_right_arithmetic3A_257 = arith.constant 7 : i32
      %shift_right_arithmetic3A_258 = vector.broadcast %shift_right_arithmetic3A_257 : i32 to vector<16xi32>
      %shift_right_arithmetic3A_259 = arith.shrsi %add3A_251, %shift_right_arithmetic3A_258 : vector<16xi32>
      %add3A_260 = arith.addi %mul3A_256, %shift_right_arithmetic3A_259 : vector<16xi32>
      %mul3A_261 = arith.constant 1024 : i32
      %mul3A_262 = vector.broadcast %mul3A_261 : i32 to vector<16xi32>
      %mul3A_263 = arith.muli %add3A_260, %mul3A_262 : vector<16xi32>
      %and3A = arith.constant 7 : i32
      %and3A_264 = vector.broadcast %and3A : i32 to vector<16xi32>
      %and3A_265 = arith.andi %get3A_248, %and3A_264 : vector<16xi32>
      %mul3A_266 = arith.constant 128 : i32
      %mul3A_267 = vector.broadcast %mul3A_266 : i32 to vector<16xi32>
      %mul3A_268 = arith.muli %and3A_265, %mul3A_267 : vector<16xi32>
      %add3A_269 = arith.addi %mul3A_263, %mul3A_268 : vector<16xi32>
      %and3A_270 = arith.constant 127 : i32
      %and3A_271 = vector.broadcast %and3A_270 : i32 to vector<16xi32>
      %and3A_272 = arith.andi %add3A_251, %and3A_271 : vector<16xi32>
      %add3A_273 = arith.addi %add3A_269, %and3A_272 : vector<16xi32>
      %mul3A_274 = arith.constant 16 : i32
      %mul3A_275 = arith.muli %scan3A_242, %mul3A_274 : i32
      %swap3A_276 = arith.index_cast %mul3A_275 : i32 to index
      %swap3A_277 = tpu.vector_load %arg9[%swap3A_276] {strides = array<i32>} : memref<128xi32, #tpu.memory_space<vmem>>, vector<16xi32>,
      tpu.vector_store %arg9[%swap3A_276], %add3A_273 {strides = array<i32>} : memref<128xi32, #tpu.memory_space<vmem>>, vector<16xi32>,
      %scan3A_278 = arith.constant 0 : i32
      scf.yield %scan3A_278 : i32
    }
    %scan3A_32 = arith.constant 8 : i32
    %dma_start3A_33 = arith.constant 0 : i32
    %dma_start3A_34 = tpu.memref_slice %arg2[%dma_start3A_33] : memref<16384000xf32, #tpu.memory_space<hbm>> -> memref<16384000xf32, #tpu.memory_space<hbm>>
    tpu.enqueue_indirect_dma source(%dma_start3A_34 : memref<16384000xf32, #tpu.memory_space<hbm>>) target(%arg17 : memref<128xf32, #tpu.memory_space<vmem>>) offsets(%arg9 : memref<128xi32, #tpu.memory_space<vmem>>) semaphore(%arg27 : memref<!tpu.dma_semaphore, #tpu.memory_space<semaphore_mem>>)
    %scan3A_35 = arith.constant 0 : i32
    %scan3A_36 = arith.constant 0 : i32
    %scan3A_37 = arith.constant 8 : i32
    %scan3A_38 = arith.addi %scan3A_36, %scan3A_37 : i32
    %scan3A_39 = arith.constant 1 : i32
    %scan3A_40 = scf.for %scan3A_242 = %scan3A_36 to %scan3A_38 step %scan3A_39 iter_args(%scan3A_243 = %scan3A_35) -> (i32)  : i32 {
      %mul3A_244 = arith.constant 16 : i32
      %mul3A_245 = arith.muli %scan3A_242, %mul3A_244 : i32
      %add3A = arith.constant 512 : i32
      %add3A_246 = arith.addi %add3A, %mul3A_245 : i32
      %get3A_247 = arith.index_cast %add3A_246 : i32 to index
      %get3A_248 = tpu.vector_load %arg5[%get3A_247] {strides = array<i32>} : memref<1024xi32, #tpu.memory_space<vmem>>, vector<16xi32>,
      %add3A_249 = arith.addi %mul3A_0, %add3A_246 : i32
      %add3A_250 = vector.broadcast %add3A_249 : i32 to vector<16xi32>
      %add3A_251 = arith.addi %iota3A, %add3A_250 : vector<16xi32>
      %shift_right_arithmetic3A = arith.constant 3 : i32
      %shift_right_arithmetic3A_252 = vector.broadcast %shift_right_arithmetic3A : i32 to vector<16xi32>
      %shift_right_arithmetic3A_253 = arith.shrsi %get3A_248, %shift_right_arithmetic3A_252 : vector<16xi32>
      %mul3A_254 = arith.constant 128 : i32
      %mul3A_255 = vector.broadcast %mul3A_254 : i32 to vector<16xi32>
      %mul3A_256 = arith.muli %shift_right_arithmetic3A_253, %mul3A_255 : vector<16xi32>
      %shift_right_arithmetic3A_257 = arith.constant 7 : i32
      %shift_right_arithmetic3A_258 = vector.broadcast %shift_right_arithmetic3A_257 : i32 to vector<16xi32>
      %shift_right_arithmetic3A_259 = arith.shrsi %add3A_251, %shift_right_arithmetic3A_258 : vector<16xi32>
      %add3A_260 = arith.addi %mul3A_256, %shift_right_arithmetic3A_259 : vector<16xi32>
      %mul3A_261 = arith.constant 1024 : i32
      %mul3A_262 = vector.broadcast %mul3A_261 : i32 to vector<16xi32>
      %mul3A_263 = arith.muli %add3A_260, %mul3A_262 : vector<16xi32>
      %and3A = arith.constant 7 : i32
      %and3A_264 = vector.broadcast %and3A : i32 to vector<16xi32>
      %and3A_265 = arith.andi %get3A_248, %and3A_264 : vector<16xi32>
      %mul3A_266 = arith.constant 128 : i32
      %mul3A_267 = vector.broadcast %mul3A_266 : i32 to vector<16xi32>
      %mul3A_268 = arith.muli %and3A_265, %mul3A_267 : vector<16xi32>
      %add3A_269 = arith.addi %mul3A_263, %mul3A_268 : vector<16xi32>
      %and3A_270 = arith.constant 127 : i32
      %and3A_271 = vector.broadcast %and3A_270 : i32 to vector<16xi32>
      %and3A_272 = arith.andi %add3A_251, %and3A_271 : vector<16xi32>
      %add3A_273 = arith.addi %add3A_269, %and3A_272 : vector<16xi32>
      %mul3A_274 = arith.constant 16 : i32
      %mul3A_275 = arith.muli %scan3A_242, %mul3A_274 : i32
      %swap3A_276 = arith.index_cast %mul3A_275 : i32 to index
      %swap3A_277 = tpu.vector_load %arg10[%swap3A_276] {strides = array<i32>} : memref<128xi32, #tpu.memory_space<vmem>>, vector<16xi32>,
      tpu.vector_store %arg10[%swap3A_276], %add3A_273 {strides = array<i32>} : memref<128xi32, #tpu.memory_space<vmem>>, vector<16xi32>,
      %scan3A_278 = arith.constant 0 : i32
      scf.yield %scan3A_278 : i32
    }
    %scan3A_41 = arith.constant 8 : i32
    %dma_start3A_42 = arith.constant 0 : i32
    %dma_start3A_43 = tpu.memref_slice %arg2[%dma_start3A_42] : memref<16384000xf32, #tpu.memory_space<hbm>> -> memref<16384000xf32, #tpu.memory_space<hbm>>
    tpu.enqueue_indirect_dma source(%dma_start3A_43 : memref<16384000xf32, #tpu.memory_space<hbm>>) target(%arg18 : memref<128xf32, #tpu.memory_space<vmem>>) offsets(%arg10 : memref<128xi32, #tpu.memory_space<vmem>>) semaphore(%arg27 : memref<!tpu.dma_semaphore, #tpu.memory_space<semaphore_mem>>)
    %scan3A_44 = arith.constant 0 : i32
    %scan3A_45 = arith.constant 0 : i32
    %scan3A_46 = arith.constant 8 : i32
    %scan3A_47 = arith.addi %scan3A_45, %scan3A_46 : i32
    %scan3A_48 = arith.constant 1 : i32
    %scan3A_49 = scf.for %scan3A_242 = %scan3A_45 to %scan3A_47 step %scan3A_48 iter_args(%scan3A_243 = %scan3A_44) -> (i32)  : i32 {
      %mul3A_244 = arith.constant 16 : i32
      %mul3A_245 = arith.muli %scan3A_242, %mul3A_244 : i32
      %add3A = arith.constant 640 : i32
      %add3A_246 = arith.addi %add3A, %mul3A_245 : i32
      %get3A_247 = arith.index_cast %add3A_246 : i32 to index
      %get3A_248 = tpu.vector_load %arg5[%get3A_247] {strides = array<i32>} : memref<1024xi32, #tpu.memory_space<vmem>>, vector<16xi32>,
      %add3A_249 = arith.addi %mul3A_0, %add3A_246 : i32
      %add3A_250 = vector.broadcast %add3A_249 : i32 to vector<16xi32>
      %add3A_251 = arith.addi %iota3A, %add3A_250 : vector<16xi32>
      %shift_right_arithmetic3A = arith.constant 3 : i32
      %shift_right_arithmetic3A_252 = vector.broadcast %shift_right_arithmetic3A : i32 to vector<16xi32>
      %shift_right_arithmetic3A_253 = arith.shrsi %get3A_248, %shift_right_arithmetic3A_252 : vector<16xi32>
      %mul3A_254 = arith.constant 128 : i32
      %mul3A_255 = vector.broadcast %mul3A_254 : i32 to vector<16xi32>
      %mul3A_256 = arith.muli %shift_right_arithmetic3A_253, %mul3A_255 : vector<16xi32>
      %shift_right_arithmetic3A_257 = arith.constant 7 : i32
      %shift_right_arithmetic3A_258 = vector.broadcast %shift_right_arithmetic3A_257 : i32 to vector<16xi32>
      %shift_right_arithmetic3A_259 = arith.shrsi %add3A_251, %shift_right_arithmetic3A_258 : vector<16xi32>
      %add3A_260 = arith.addi %mul3A_256, %shift_right_arithmetic3A_259 : vector<16xi32>
      %mul3A_261 = arith.constant 1024 : i32
      %mul3A_262 = vector.broadcast %mul3A_261 : i32 to vector<16xi32>
      %mul3A_263 = arith.muli %add3A_260, %mul3A_262 : vector<16xi32>
      %and3A = arith.constant 7 : i32
      %and3A_264 = vector.broadcast %and3A : i32 to vector<16xi32>
      %and3A_265 = arith.andi %get3A_248, %and3A_264 : vector<16xi32>
      %mul3A_266 = arith.constant 128 : i32
      %mul3A_267 = vector.broadcast %mul3A_266 : i32 to vector<16xi32>
      %mul3A_268 = arith.muli %and3A_265, %mul3A_267 : vector<16xi32>
      %add3A_269 = arith.addi %mul3A_263, %mul3A_268 : vector<16xi32>
      %and3A_270 = arith.constant 127 : i32
      %and3A_271 = vector.broadcast %and3A_270 : i32 to vector<16xi32>
      %and3A_272 = arith.andi %add3A_251, %and3A_271 : vector<16xi32>
      %add3A_273 = arith.addi %add3A_269, %and3A_272 : vector<16xi32>
      %mul3A_274 = arith.constant 16 : i32
      %mul3A_275 = arith.muli %scan3A_242, %mul3A_274 : i32
      %swap3A_276 = arith.index_cast %mul3A_275 : i32 to index
      %swap3A_277 = tpu.vector_load %arg11[%swap3A_276] {strides = array<i32>} : memref<128xi32, #tpu.memory_space<vmem>>, vector<16xi32>,
      tpu.vector_store %arg11[%swap3A_276], %add3A_273 {strides = array<i32>} : memref<128xi32, #tpu.memory_space<vmem>>, vector<16xi32>,
      %scan3A_278 = arith.constant 0 : i32
      scf.yield %scan3A_278 : i32
    }
    %scan3A_50 = arith.constant 8 : i32
    %dma_start3A_51 = arith.constant 0 : i32
    %dma_start3A_52 = tpu.memref_slice %arg2[%dma_start3A_51] : memref<16384000xf32, #tpu.memory_space<hbm>> -> memref<16384000xf32, #tpu.memory_space<hbm>>
    tpu.enqueue_indirect_dma source(%dma_start3A_52 : memref<16384000xf32, #tpu.memory_space<hbm>>) target(%arg19 : memref<128xf32, #tpu.memory_space<vmem>>) offsets(%arg11 : memref<128xi32, #tpu.memory_space<vmem>>) semaphore(%arg27 : memref<!tpu.dma_semaphore, #tpu.memory_space<semaphore_mem>>)
    %scan3A_53 = arith.constant 0 : i32
    %scan3A_54 = arith.constant 0 : i32
    %scan3A_55 = arith.constant 8 : i32
    %scan3A_56 = arith.addi %scan3A_54, %scan3A_55 : i32
    %scan3A_57 = arith.constant 1 : i32
    %scan3A_58 = scf.for %scan3A_242 = %scan3A_54 to %scan3A_56 step %scan3A_57 iter_args(%scan3A_243 = %scan3A_53) -> (i32)  : i32 {
      %mul3A_244 = arith.constant 16 : i32
      %mul3A_245 = arith.muli %scan3A_242, %mul3A_244 : i32
      %add3A = arith.constant 768 : i32
      %add3A_246 = arith.addi %add3A, %mul3A_245 : i32
      %get3A_247 = arith.index_cast %add3A_246 : i32 to index
      %get3A_248 = tpu.vector_load %arg5[%get3A_247] {strides = array<i32>} : memref<1024xi32, #tpu.memory_space<vmem>>, vector<16xi32>,
      %add3A_249 = arith.addi %mul3A_0, %add3A_246 : i32
      %add3A_250 = vector.broadcast %add3A_249 : i32 to vector<16xi32>
      %add3A_251 = arith.addi %iota3A, %add3A_250 : vector<16xi32>
      %shift_right_arithmetic3A = arith.constant 3 : i32
      %shift_right_arithmetic3A_252 = vector.broadcast %shift_right_arithmetic3A : i32 to vector<16xi32>
      %shift_right_arithmetic3A_253 = arith.shrsi %get3A_248, %shift_right_arithmetic3A_252 : vector<16xi32>
      %mul3A_254 = arith.constant 128 : i32
      %mul3A_255 = vector.broadcast %mul3A_254 : i32 to vector<16xi32>
      %mul3A_256 = arith.muli %shift_right_arithmetic3A_253, %mul3A_255 : vector<16xi32>
      %shift_right_arithmetic3A_257 = arith.constant 7 : i32
      %shift_right_arithmetic3A_258 = vector.broadcast %shift_right_arithmetic3A_257 : i32 to vector<16xi32>
      %shift_right_arithmetic3A_259 = arith.shrsi %add3A_251, %shift_right_arithmetic3A_258 : vector<16xi32>
      %add3A_260 = arith.addi %mul3A_256, %shift_right_arithmetic3A_259 : vector<16xi32>
      %mul3A_261 = arith.constant 1024 : i32
      %mul3A_262 = vector.broadcast %mul3A_261 : i32 to vector<16xi32>
      %mul3A_263 = arith.muli %add3A_260, %mul3A_262 : vector<16xi32>
      %and3A = arith.constant 7 : i32
      %and3A_264 = vector.broadcast %and3A : i32 to vector<16xi32>
      %and3A_265 = arith.andi %get3A_248, %and3A_264 : vector<16xi32>
      %mul3A_266 = arith.constant 128 : i32
      %mul3A_267 = vector.broadcast %mul3A_266 : i32 to vector<16xi32>
      %mul3A_268 = arith.muli %and3A_265, %mul3A_267 : vector<16xi32>
      %add3A_269 = arith.addi %mul3A_263, %mul3A_268 : vector<16xi32>
      %and3A_270 = arith.constant 127 : i32
      %and3A_271 = vector.broadcast %and3A_270 : i32 to vector<16xi32>
      %and3A_272 = arith.andi %add3A_251, %and3A_271 : vector<16xi32>
      %add3A_273 = arith.addi %add3A_269, %and3A_272 : vector<16xi32>
      %mul3A_274 = arith.constant 16 : i32
      %mul3A_275 = arith.muli %scan3A_242, %mul3A_274 : i32
      %swap3A_276 = arith.index_cast %mul3A_275 : i32 to index
      %swap3A_277 = tpu.vector_load %arg12[%swap3A_276] {strides = array<i32>} : memref<128xi32, #tpu.memory_space<vmem>>, vector<16xi32>,
      tpu.vector_store %arg12[%swap3A_276], %add3A_273 {strides = array<i32>} : memref<128xi32, #tpu.memory_space<vmem>>, vector<16xi32>,
      %scan3A_278 = arith.constant 0 : i32
      scf.yield %scan3A_278 : i32
    }
    %scan3A_59 = arith.constant 8 : i32
    %dma_start3A_60 = arith.constant 0 : i32
    %dma_start3A_61 = tpu.memref_slice %arg2[%dma_start3A_60] : memref<16384000xf32, #tpu.memory_space<hbm>> -> memref<16384000xf32, #tpu.memory_space<hbm>>
    tpu.enqueue_indirect_dma source(%dma_start3A_61 : memref<16384000xf32, #tpu.memory_space<hbm>>) target(%arg20 : memref<128xf32, #tpu.memory_space<vmem>>) offsets(%arg12 : memref<128xi32, #tpu.memory_space<vmem>>) semaphore(%arg27 : memref<!tpu.dma_semaphore, #tpu.memory_space<semaphore_mem>>)
    %scan3A_62 = arith.constant 0 : i32
    %scan3A_63 = arith.constant 0 : i32
    %scan3A_64 = arith.constant 8 : i32
    %scan3A_65 = arith.addi %scan3A_63, %scan3A_64 : i32
    %scan3A_66 = arith.constant 1 : i32
    %scan3A_67 = scf.for %scan3A_242 = %scan3A_63 to %scan3A_65 step %scan3A_66 iter_args(%scan3A_243 = %scan3A_62) -> (i32)  : i32 {
      %mul3A_244 = arith.constant 16 : i32
      %mul3A_245 = arith.muli %scan3A_242, %mul3A_244 : i32
      %add3A = arith.constant 896 : i32
      %add3A_246 = arith.addi %add3A, %mul3A_245 : i32
      %get3A_247 = arith.index_cast %add3A_246 : i32 to index
      %get3A_248 = tpu.vector_load %arg5[%get3A_247] {strides = array<i32>} : memref<1024xi32, #tpu.memory_space<vmem>>, vector<16xi32>,
      %add3A_249 = arith.addi %mul3A_0, %add3A_246 : i32
      %add3A_250 = vector.broadcast %add3A_249 : i32 to vector<16xi32>
      %add3A_251 = arith.addi %iota3A, %add3A_250 : vector<16xi32>
      %shift_right_arithmetic3A = arith.constant 3 : i32
      %shift_right_arithmetic3A_252 = vector.broadcast %shift_right_arithmetic3A : i32 to vector<16xi32>
      %shift_right_arithmetic3A_253 = arith.shrsi %get3A_248, %shift_right_arithmetic3A_252 : vector<16xi32>
      %mul3A_254 = arith.constant 128 : i32
      %mul3A_255 = vector.broadcast %mul3A_254 : i32 to vector<16xi32>
      %mul3A_256 = arith.muli %shift_right_arithmetic3A_253, %mul3A_255 : vector<16xi32>
      %shift_right_arithmetic3A_257 = arith.constant 7 : i32
      %shift_right_arithmetic3A_258 = vector.broadcast %shift_right_arithmetic3A_257 : i32 to vector<16xi32>
      %shift_right_arithmetic3A_259 = arith.shrsi %add3A_251, %shift_right_arithmetic3A_258 : vector<16xi32>
      %add3A_260 = arith.addi %mul3A_256, %shift_right_arithmetic3A_259 : vector<16xi32>
      %mul3A_261 = arith.constant 1024 : i32
      %mul3A_262 = vector.broadcast %mul3A_261 : i32 to vector<16xi32>
      %mul3A_263 = arith.muli %add3A_260, %mul3A_262 : vector<16xi32>
      %and3A = arith.constant 7 : i32
      %and3A_264 = vector.broadcast %and3A : i32 to vector<16xi32>
      %and3A_265 = arith.andi %get3A_248, %and3A_264 : vector<16xi32>
      %mul3A_266 = arith.constant 128 : i32
      %mul3A_267 = vector.broadcast %mul3A_266 : i32 to vector<16xi32>
      %mul3A_268 = arith.muli %and3A_265, %mul3A_267 : vector<16xi32>
      %add3A_269 = arith.addi %mul3A_263, %mul3A_268 : vector<16xi32>
      %and3A_270 = arith.constant 127 : i32
      %and3A_271 = vector.broadcast %and3A_270 : i32 to vector<16xi32>
      %and3A_272 = arith.andi %add3A_251, %and3A_271 : vector<16xi32>
      %add3A_273 = arith.addi %add3A_269, %and3A_272 : vector<16xi32>
      %mul3A_274 = arith.constant 16 : i32
      %mul3A_275 = arith.muli %scan3A_242, %mul3A_274 : i32
      %swap3A_276 = arith.index_cast %mul3A_275 : i32 to index
      %swap3A_277 = tpu.vector_load %arg13[%swap3A_276] {strides = array<i32>} : memref<128xi32, #tpu.memory_space<vmem>>, vector<16xi32>,
      tpu.vector_store %arg13[%swap3A_276], %add3A_273 {strides = array<i32>} : memref<128xi32, #tpu.memory_space<vmem>>, vector<16xi32>,
      %scan3A_278 = arith.constant 0 : i32
      scf.yield %scan3A_278 : i32
    }
    %scan3A_68 = arith.constant 8 : i32
    %dma_start3A_69 = arith.constant 0 : i32
    %dma_start3A_70 = tpu.memref_slice %arg2[%dma_start3A_69] : memref<16384000xf32, #tpu.memory_space<hbm>> -> memref<16384000xf32, #tpu.memory_space<hbm>>
    tpu.enqueue_indirect_dma source(%dma_start3A_70 : memref<16384000xf32, #tpu.memory_space<hbm>>) target(%arg21 : memref<128xf32, #tpu.memory_space<vmem>>) offsets(%arg13 : memref<128xi32, #tpu.memory_space<vmem>>) semaphore(%arg27 : memref<!tpu.dma_semaphore, #tpu.memory_space<semaphore_mem>>)
    %broadcast_in_dim3A = arith.constant 0.000000e+00 : f32
    %broadcast_in_dim3A_71 = vector.broadcast %broadcast_in_dim3A : f32 to vector<16xf32>
    %dma_wait3A = arith.constant 0 : i32
    %dma_wait3A_72 = tpu.memref_slice %arg2[%dma_wait3A] : memref<16384000xf32, #tpu.memory_space<hbm>> -> memref<16384000xf32, #tpu.memory_space<hbm>>
    tpu.wait_indirect_dma semaphore(%arg27 : memref<!tpu.dma_semaphore, #tpu.memory_space<semaphore_mem>>) src(%dma_wait3A_72 : memref<16384000xf32, #tpu.memory_space<hbm>>) dst(%arg14 : memref<128xf32, #tpu.memory_space<vmem>>)
    %scan3A_73 = arith.constant 0 : i32
    %scan3A_74 = arith.constant 8 : i32
    %scan3A_75 = arith.addi %scan3A_73, %scan3A_74 : i32
    %scan3A_76 = arith.constant 1 : i32
    %scan3A_77 = scf.for %scan3A_242 = %scan3A_73 to %scan3A_75 step %scan3A_76 iter_args(%scan3A_243 = %broadcast_in_dim3A_71) -> (vector<16xf32>)  : i32 {
      %mul3A_244 = arith.constant 16 : i32
      %mul3A_245 = arith.muli %scan3A_242, %mul3A_244 : i32
      %get3A_246 = arith.index_cast %mul3A_245 : i32 to index
      %get3A_247 = tpu.vector_load %arg14[%get3A_246] {strides = array<i32>} : memref<128xf32, #tpu.memory_space<vmem>>, vector<16xf32>,
      %add3A = arith.addf %scan3A_243, %get3A_247 : vector<16xf32>
      scf.yield %add3A : vector<16xf32>
    }
    %scan3A_78 = arith.constant 8 : i32
    %dma_wait3A_79 = arith.constant 0 : i32
    %dma_wait3A_80 = tpu.memref_slice %arg2[%dma_wait3A_79] : memref<16384000xf32, #tpu.memory_space<hbm>> -> memref<16384000xf32, #tpu.memory_space<hbm>>
    tpu.wait_indirect_dma semaphore(%arg27 : memref<!tpu.dma_semaphore, #tpu.memory_space<semaphore_mem>>) src(%dma_wait3A_80 : memref<16384000xf32, #tpu.memory_space<hbm>>) dst(%arg15 : memref<128xf32, #tpu.memory_space<vmem>>)
    %scan3A_81 = arith.constant 0 : i32
    %scan3A_82 = arith.constant 8 : i32
    %scan3A_83 = arith.addi %scan3A_81, %scan3A_82 : i32
    %scan3A_84 = arith.constant 1 : i32
    %scan3A_85 = scf.for %scan3A_242 = %scan3A_81 to %scan3A_83 step %scan3A_84 iter_args(%scan3A_243 = %scan3A_77) -> (vector<16xf32>)  : i32 {
      %mul3A_244 = arith.constant 16 : i32
      %mul3A_245 = arith.muli %scan3A_242, %mul3A_244 : i32
      %get3A_246 = arith.index_cast %mul3A_245 : i32 to index
      %get3A_247 = tpu.vector_load %arg15[%get3A_246] {strides = array<i32>} : memref<128xf32, #tpu.memory_space<vmem>>, vector<16xf32>,
      %add3A = arith.addf %scan3A_243, %get3A_247 : vector<16xf32>
      scf.yield %add3A : vector<16xf32>
    }
    %scan3A_86 = arith.constant 8 : i32
    %dma_wait3A_87 = arith.constant 0 : i32
    %dma_wait3A_88 = tpu.memref_slice %arg2[%dma_wait3A_87] : memref<16384000xf32, #tpu.memory_space<hbm>> -> memref<16384000xf32, #tpu.memory_space<hbm>>
    tpu.wait_indirect_dma semaphore(%arg27 : memref<!tpu.dma_semaphore, #tpu.memory_space<semaphore_mem>>) src(%dma_wait3A_88 : memref<16384000xf32, #tpu.memory_space<hbm>>) dst(%arg16 : memref<128xf32, #tpu.memory_space<vmem>>)
    %scan3A_89 = arith.constant 0 : i32
    %scan3A_90 = arith.constant 8 : i32
    %scan3A_91 = arith.addi %scan3A_89, %scan3A_90 : i32
    %scan3A_92 = arith.constant 1 : i32
    %scan3A_93 = scf.for %scan3A_242 = %scan3A_89 to %scan3A_91 step %scan3A_92 iter_args(%scan3A_243 = %scan3A_85) -> (vector<16xf32>)  : i32 {
      %mul3A_244 = arith.constant 16 : i32
      %mul3A_245 = arith.muli %scan3A_242, %mul3A_244 : i32
      %get3A_246 = arith.index_cast %mul3A_245 : i32 to index
      %get3A_247 = tpu.vector_load %arg16[%get3A_246] {strides = array<i32>} : memref<128xf32, #tpu.memory_space<vmem>>, vector<16xf32>,
      %add3A = arith.addf %scan3A_243, %get3A_247 : vector<16xf32>
      scf.yield %add3A : vector<16xf32>
    }
    %scan3A_94 = arith.constant 8 : i32
    %dma_wait3A_95 = arith.constant 0 : i32
    %dma_wait3A_96 = tpu.memref_slice %arg2[%dma_wait3A_95] : memref<16384000xf32, #tpu.memory_space<hbm>> -> memref<16384000xf32, #tpu.memory_space<hbm>>
    tpu.wait_indirect_dma semaphore(%arg27 : memref<!tpu.dma_semaphore, #tpu.memory_space<semaphore_mem>>) src(%dma_wait3A_96 : memref<16384000xf32, #tpu.memory_space<hbm>>) dst(%arg17 : memref<128xf32, #tpu.memory_space<vmem>>)
    %scan3A_97 = arith.constant 0 : i32
    %scan3A_98 = arith.constant 8 : i32
    %scan3A_99 = arith.addi %scan3A_97, %scan3A_98 : i32
    %scan3A_100 = arith.constant 1 : i32
    %scan3A_101 = scf.for %scan3A_242 = %scan3A_97 to %scan3A_99 step %scan3A_100 iter_args(%scan3A_243 = %scan3A_93) -> (vector<16xf32>)  : i32 {
      %mul3A_244 = arith.constant 16 : i32
      %mul3A_245 = arith.muli %scan3A_242, %mul3A_244 : i32
      %get3A_246 = arith.index_cast %mul3A_245 : i32 to index
      %get3A_247 = tpu.vector_load %arg17[%get3A_246] {strides = array<i32>} : memref<128xf32, #tpu.memory_space<vmem>>, vector<16xf32>,
      %add3A = arith.addf %scan3A_243, %get3A_247 : vector<16xf32>
      scf.yield %add3A : vector<16xf32>
    }
    %scan3A_102 = arith.constant 8 : i32
    %dma_wait3A_103 = arith.constant 0 : i32
    %dma_wait3A_104 = tpu.memref_slice %arg2[%dma_wait3A_103] : memref<16384000xf32, #tpu.memory_space<hbm>> -> memref<16384000xf32, #tpu.memory_space<hbm>>
    tpu.wait_indirect_dma semaphore(%arg27 : memref<!tpu.dma_semaphore, #tpu.memory_space<semaphore_mem>>) src(%dma_wait3A_104 : memref<16384000xf32, #tpu.memory_space<hbm>>) dst(%arg18 : memref<128xf32, #tpu.memory_space<vmem>>)
    %scan3A_105 = arith.constant 0 : i32
    %scan3A_106 = arith.constant 8 : i32
    %scan3A_107 = arith.addi %scan3A_105, %scan3A_106 : i32
    %scan3A_108 = arith.constant 1 : i32
    %scan3A_109 = scf.for %scan3A_242 = %scan3A_105 to %scan3A_107 step %scan3A_108 iter_args(%scan3A_243 = %scan3A_101) -> (vector<16xf32>)  : i32 {
      %mul3A_244 = arith.constant 16 : i32
      %mul3A_245 = arith.muli %scan3A_242, %mul3A_244 : i32
      %get3A_246 = arith.index_cast %mul3A_245 : i32 to index
      %get3A_247 = tpu.vector_load %arg18[%get3A_246] {strides = array<i32>} : memref<128xf32, #tpu.memory_space<vmem>>, vector<16xf32>,
      %add3A = arith.addf %scan3A_243, %get3A_247 : vector<16xf32>
      scf.yield %add3A : vector<16xf32>
    }
    %scan3A_110 = arith.constant 8 : i32
    %dma_wait3A_111 = arith.constant 0 : i32
    %dma_wait3A_112 = tpu.memref_slice %arg2[%dma_wait3A_111] : memref<16384000xf32, #tpu.memory_space<hbm>> -> memref<16384000xf32, #tpu.memory_space<hbm>>
    tpu.wait_indirect_dma semaphore(%arg27 : memref<!tpu.dma_semaphore, #tpu.memory_space<semaphore_mem>>) src(%dma_wait3A_112 : memref<16384000xf32, #tpu.memory_space<hbm>>) dst(%arg19 : memref<128xf32, #tpu.memory_space<vmem>>)
    %scan3A_113 = arith.constant 0 : i32
    %scan3A_114 = arith.constant 8 : i32
    %scan3A_115 = arith.addi %scan3A_113, %scan3A_114 : i32
    %scan3A_116 = arith.constant 1 : i32
    %scan3A_117 = scf.for %scan3A_242 = %scan3A_113 to %scan3A_115 step %scan3A_116 iter_args(%scan3A_243 = %scan3A_109) -> (vector<16xf32>)  : i32 {
      %mul3A_244 = arith.constant 16 : i32
      %mul3A_245 = arith.muli %scan3A_242, %mul3A_244 : i32
      %get3A_246 = arith.index_cast %mul3A_245 : i32 to index
      %get3A_247 = tpu.vector_load %arg19[%get3A_246] {strides = array<i32>} : memref<128xf32, #tpu.memory_space<vmem>>, vector<16xf32>,
      %add3A = arith.addf %scan3A_243, %get3A_247 : vector<16xf32>
      scf.yield %add3A : vector<16xf32>
    }
    %scan3A_118 = arith.constant 8 : i32
    %dma_wait3A_119 = arith.constant 0 : i32
    %dma_wait3A_120 = tpu.memref_slice %arg2[%dma_wait3A_119] : memref<16384000xf32, #tpu.memory_space<hbm>> -> memref<16384000xf32, #tpu.memory_space<hbm>>
    tpu.wait_indirect_dma semaphore(%arg27 : memref<!tpu.dma_semaphore, #tpu.memory_space<semaphore_mem>>) src(%dma_wait3A_120 : memref<16384000xf32, #tpu.memory_space<hbm>>) dst(%arg20 : memref<128xf32, #tpu.memory_space<vmem>>)
    %scan3A_121 = arith.constant 0 : i32
    %scan3A_122 = arith.constant 8 : i32
    %scan3A_123 = arith.addi %scan3A_121, %scan3A_122 : i32
    %scan3A_124 = arith.constant 1 : i32
    %scan3A_125 = scf.for %scan3A_242 = %scan3A_121 to %scan3A_123 step %scan3A_124 iter_args(%scan3A_243 = %scan3A_117) -> (vector<16xf32>)  : i32 {
      %mul3A_244 = arith.constant 16 : i32
      %mul3A_245 = arith.muli %scan3A_242, %mul3A_244 : i32
      %get3A_246 = arith.index_cast %mul3A_245 : i32 to index
      %get3A_247 = tpu.vector_load %arg20[%get3A_246] {strides = array<i32>} : memref<128xf32, #tpu.memory_space<vmem>>, vector<16xf32>,
      %add3A = arith.addf %scan3A_243, %get3A_247 : vector<16xf32>
      scf.yield %add3A : vector<16xf32>
    }
    %scan3A_126 = arith.constant 8 : i32
    %dma_wait3A_127 = arith.constant 0 : i32
    %dma_wait3A_128 = tpu.memref_slice %arg2[%dma_wait3A_127] : memref<16384000xf32, #tpu.memory_space<hbm>> -> memref<16384000xf32, #tpu.memory_space<hbm>>
    tpu.wait_indirect_dma semaphore(%arg27 : memref<!tpu.dma_semaphore, #tpu.memory_space<semaphore_mem>>) src(%dma_wait3A_128 : memref<16384000xf32, #tpu.memory_space<hbm>>) dst(%arg21 : memref<128xf32, #tpu.memory_space<vmem>>)
    %scan3A_129 = arith.constant 0 : i32
    %scan3A_130 = arith.constant 8 : i32
    %scan3A_131 = arith.addi %scan3A_129, %scan3A_130 : i32
    %scan3A_132 = arith.constant 1 : i32
    %scan3A_133 = scf.for %scan3A_242 = %scan3A_129 to %scan3A_131 step %scan3A_132 iter_args(%scan3A_243 = %scan3A_125) -> (vector<16xf32>)  : i32 {
      %mul3A_244 = arith.constant 16 : i32
      %mul3A_245 = arith.muli %scan3A_242, %mul3A_244 : i32
      %get3A_246 = arith.index_cast %mul3A_245 : i32 to index
      %get3A_247 = tpu.vector_load %arg21[%get3A_246] {strides = array<i32>} : memref<128xf32, #tpu.memory_space<vmem>>, vector<16xf32>,
      %add3A = arith.addf %scan3A_243, %get3A_247 : vector<16xf32>
      scf.yield %add3A : vector<16xf32>
    }
    %scan3A_134 = arith.constant 8 : i32
    %swap3A = arith.constant 0 : index
    %swap3A_135 = tpu.vector_load %arg22[%swap3A] {strides = array<i32>} : memref<16xf32, #tpu.memory_space<vmem>>, vector<16xf32>,
    tpu.vector_store %arg22[%swap3A], %scan3A_133 {strides = array<i32>} : memref<16xf32, #tpu.memory_space<vmem>>, vector<16xf32>,
    %eq3A = arith.constant 0 : i32
    %eq3A_136 = arith.cmpi eq, %arg1, %eq3A : i32
    %convert_element_type3A = arith.extui %eq3A_136 : i1 to i32
    %cond3A = arith.constant 0 : i32
    %cond3A_137 = arith.cmpi ne, %convert_element_type3A, %cond3A : i32
    scf.if %cond3A_137 {
      %broadcast_in_dim3A_242 = arith.constant 0.000000e+00 : f32
      %broadcast_in_dim3A_243 = vector.broadcast %broadcast_in_dim3A_242 : f32 to vector<16xf32>
      %swap3A_244 = arith.constant 0 : index
      %swap3A_245 = tpu.vector_load %arg23[%swap3A_244] {strides = array<i32>} : memref<16xf32, #tpu.memory_space<vmem>>, vector<16xf32>,
      tpu.vector_store %arg23[%swap3A_244], %broadcast_in_dim3A_243 {strides = array<i32>} : memref<16xf32, #tpu.memory_space<vmem>>, vector<16xf32>,
      %run_scoped3A = arith.constant 0 : i32
      "tpu.region"() ({
        %run_scoped3A_246 = tpu.sem_alloc : memref<!tpu.dma_semaphore, #tpu.memory_space<semaphore_mem>>
        %dma_start3A_247 = arith.constant 0 : i32
        %dma_start3A_248 = tpu.memref_slice %arg26[%run_scoped3A, %dma_start3A_247] : memref<16x16xf32, #tpu.memory_space<vmem_shared>> -> memref<1x16xf32, #tpu.memory_space<vmem_shared>>
        %dma_start3A_249 = tpu.memref_squeeze %dma_start3A_248 : memref<1x16xf32, #tpu.memory_space<vmem_shared>> -> memref<16xf32, #tpu.memory_space<vmem_shared>>
        %dma_start3A_250 = arith.constant 0 : i32
        %dma_start3A_251 = tpu.memref_slice %arg26[%run_scoped3A, %dma_start3A_250] : memref<16x16xf32, #tpu.memory_space<vmem_shared>> -> memref<1x16xf32, #tpu.memory_space<vmem_shared>>
        %dma_start3A_252 = tpu.memref_squeeze %dma_start3A_251 : memref<1x16xf32, #tpu.memory_space<vmem_shared>> -> memref<16xf32, #tpu.memory_space<vmem_shared>>
        tpu.enqueue_dma source(%arg23 : memref<16xf32, #tpu.memory_space<vmem>>) target(%dma_start3A_252 : memref<16xf32, #tpu.memory_space<vmem_shared>>) target_semaphore(%run_scoped3A_246 : memref<!tpu.dma_semaphore, #tpu.memory_space<semaphore_mem>>)
        %dma_wait3A_253 = arith.constant 0 : i32
        %dma_wait3A_254 = tpu.memref_slice %arg26[%run_scoped3A, %dma_wait3A_253] : memref<16x16xf32, #tpu.memory_space<vmem_shared>> -> memref<1x16xf32, #tpu.memory_space<vmem_shared>>
        %dma_wait3A_255 = tpu.memref_squeeze %dma_wait3A_254 : memref<1x16xf32, #tpu.memory_space<vmem_shared>> -> memref<16xf32, #tpu.memory_space<vmem_shared>>
        %dma_wait3A_256 = arith.constant 0 : i32
        %dma_wait3A_257 = tpu.memref_slice %arg26[%run_scoped3A, %dma_wait3A_256] : memref<16x16xf32, #tpu.memory_space<vmem_shared>> -> memref<1x16xf32, #tpu.memory_space<vmem_shared>>
        %dma_wait3A_258 = tpu.memref_squeeze %dma_wait3A_257 : memref<1x16xf32, #tpu.memory_space<vmem_shared>> -> memref<16xf32, #tpu.memory_space<vmem_shared>>
        tpu.wait_dma2 semaphore(%run_scoped3A_246 : memref<!tpu.dma_semaphore, #tpu.memory_space<semaphore_mem>>) src(%arg23 : memref<16xf32, #tpu.memory_space<vmem>>) dst(%dma_wait3A_258 : memref<16xf32, #tpu.memory_space<vmem_shared>>)
        tpu.yield
      }) : () -> ()
    } else {
    }
    %barrier3A = arith.constant 0 : index
    tpu.barrier barrier_id(%barrier3A)
    %iota3A_138 = tpu.iota {dimensions = array<i32: 0>} : vector<16xi32>
    %swap3A_139 = arith.constant 0 : index
    %swap3A_140 = tpu.vector_load %arg24[%swap3A_139] {strides = array<i32>} : memref<16xi32, #tpu.memory_space<vmem>>, vector<16xi32>,
    tpu.vector_store %arg24[%swap3A_139], %iota3A_138 {strides = array<i32>} : memref<16xi32, #tpu.memory_space<vmem>>, vector<16xi32>,
    %get3A = arith.constant 0 : index
    %get3A_141 = tpu.vector_load %arg22[%get3A] {strides = array<i32>} : memref<16xf32, #tpu.memory_space<vmem>>, vector<16xf32>,
    %swap3A_142 = arith.constant 0 : i32
    %swap3A_143 = arith.index_cast %swap3A_142 : i32 to index
    %swap3A_144 = arith.constant 0 : index
    %swap3A_145 = tpu.vector_load %arg25[%swap3A_143, %swap3A_144] {strides = array<i32>} : memref<16x16xf32, #tpu.memory_space<vmem>>, vector<16xf32>,
    tpu.vector_store %arg25[%swap3A_143, %swap3A_144], %get3A_141 {strides = array<i32>} : memref<16x16xf32, #tpu.memory_space<vmem>>, vector<16xf32>,
    %broadcast_in_dim3A_146 = arith.constant 0.000000e+00 : f32
    %broadcast_in_dim3A_147 = vector.broadcast %broadcast_in_dim3A_146 : f32 to vector<16xf32>
    %swap3A_148 = arith.constant 1 : i32
    %swap3A_149 = arith.index_cast %swap3A_148 : i32 to index
    %swap3A_150 = arith.constant 0 : index
    %swap3A_151 = tpu.vector_load %arg25[%swap3A_149, %swap3A_150] {strides = array<i32>} : memref<16x16xf32, #tpu.memory_space<vmem>>, vector<16xf32>,
    tpu.vector_store %arg25[%swap3A_149, %swap3A_150], %broadcast_in_dim3A_147 {strides = array<i32>} : memref<16x16xf32, #tpu.memory_space<vmem>>, vector<16xf32>,
    %broadcast_in_dim3A_152 = arith.constant 0.000000e+00 : f32
    %broadcast_in_dim3A_153 = vector.broadcast %broadcast_in_dim3A_152 : f32 to vector<16xf32>
    %swap3A_154 = arith.constant 2 : i32
    %swap3A_155 = arith.index_cast %swap3A_154 : i32 to index
    %swap3A_156 = arith.constant 0 : index
    %swap3A_157 = tpu.vector_load %arg25[%swap3A_155, %swap3A_156] {strides = array<i32>} : memref<16x16xf32, #tpu.memory_space<vmem>>, vector<16xf32>,
    tpu.vector_store %arg25[%swap3A_155, %swap3A_156], %broadcast_in_dim3A_153 {strides = array<i32>} : memref<16x16xf32, #tpu.memory_space<vmem>>, vector<16xf32>,
    %broadcast_in_dim3A_158 = arith.constant 0.000000e+00 : f32
    %broadcast_in_dim3A_159 = vector.broadcast %broadcast_in_dim3A_158 : f32 to vector<16xf32>
    %swap3A_160 = arith.constant 3 : i32
    %swap3A_161 = arith.index_cast %swap3A_160 : i32 to index
    %swap3A_162 = arith.constant 0 : index
    %swap3A_163 = tpu.vector_load %arg25[%swap3A_161, %swap3A_162] {strides = array<i32>} : memref<16x16xf32, #tpu.memory_space<vmem>>, vector<16xf32>,
    tpu.vector_store %arg25[%swap3A_161, %swap3A_162], %broadcast_in_dim3A_159 {strides = array<i32>} : memref<16x16xf32, #tpu.memory_space<vmem>>, vector<16xf32>,
    %broadcast_in_dim3A_164 = arith.constant 0.000000e+00 : f32
    %broadcast_in_dim3A_165 = vector.broadcast %broadcast_in_dim3A_164 : f32 to vector<16xf32>
    %swap3A_166 = arith.constant 4 : i32
    %swap3A_167 = arith.index_cast %swap3A_166 : i32 to index
    %swap3A_168 = arith.constant 0 : index
    %swap3A_169 = tpu.vector_load %arg25[%swap3A_167, %swap3A_168] {strides = array<i32>} : memref<16x16xf32, #tpu.memory_space<vmem>>, vector<16xf32>,
    tpu.vector_store %arg25[%swap3A_167, %swap3A_168], %broadcast_in_dim3A_165 {strides = array<i32>} : memref<16x16xf32, #tpu.memory_space<vmem>>, vector<16xf32>,
    %broadcast_in_dim3A_170 = arith.constant 0.000000e+00 : f32
    %broadcast_in_dim3A_171 = vector.broadcast %broadcast_in_dim3A_170 : f32 to vector<16xf32>
    %swap3A_172 = arith.constant 5 : i32
    %swap3A_173 = arith.index_cast %swap3A_172 : i32 to index
    %swap3A_174 = arith.constant 0 : index
    %swap3A_175 = tpu.vector_load %arg25[%swap3A_173, %swap3A_174] {strides = array<i32>} : memref<16x16xf32, #tpu.memory_space<vmem>>, vector<16xf32>,
    tpu.vector_store %arg25[%swap3A_173, %swap3A_174], %broadcast_in_dim3A_171 {strides = array<i32>} : memref<16x16xf32, #tpu.memory_space<vmem>>, vector<16xf32>,
    %broadcast_in_dim3A_176 = arith.constant 0.000000e+00 : f32
    %broadcast_in_dim3A_177 = vector.broadcast %broadcast_in_dim3A_176 : f32 to vector<16xf32>
    %swap3A_178 = arith.constant 6 : i32
    %swap3A_179 = arith.index_cast %swap3A_178 : i32 to index
    %swap3A_180 = arith.constant 0 : index
    %swap3A_181 = tpu.vector_load %arg25[%swap3A_179, %swap3A_180] {strides = array<i32>} : memref<16x16xf32, #tpu.memory_space<vmem>>, vector<16xf32>,
    tpu.vector_store %arg25[%swap3A_179, %swap3A_180], %broadcast_in_dim3A_177 {strides = array<i32>} : memref<16x16xf32, #tpu.memory_space<vmem>>, vector<16xf32>,
    %broadcast_in_dim3A_182 = arith.constant 0.000000e+00 : f32
    %broadcast_in_dim3A_183 = vector.broadcast %broadcast_in_dim3A_182 : f32 to vector<16xf32>
    %swap3A_184 = arith.constant 7 : i32
    %swap3A_185 = arith.index_cast %swap3A_184 : i32 to index
    %swap3A_186 = arith.constant 0 : index
    %swap3A_187 = tpu.vector_load %arg25[%swap3A_185, %swap3A_186] {strides = array<i32>} : memref<16x16xf32, #tpu.memory_space<vmem>>, vector<16xf32>,
    tpu.vector_store %arg25[%swap3A_185, %swap3A_186], %broadcast_in_dim3A_183 {strides = array<i32>} : memref<16x16xf32, #tpu.memory_space<vmem>>, vector<16xf32>,
    %broadcast_in_dim3A_188 = arith.constant 0.000000e+00 : f32
    %broadcast_in_dim3A_189 = vector.broadcast %broadcast_in_dim3A_188 : f32 to vector<16xf32>
    %swap3A_190 = arith.constant 8 : i32
    %swap3A_191 = arith.index_cast %swap3A_190 : i32 to index
    %swap3A_192 = arith.constant 0 : index
    %swap3A_193 = tpu.vector_load %arg25[%swap3A_191, %swap3A_192] {strides = array<i32>} : memref<16x16xf32, #tpu.memory_space<vmem>>, vector<16xf32>,
    tpu.vector_store %arg25[%swap3A_191, %swap3A_192], %broadcast_in_dim3A_189 {strides = array<i32>} : memref<16x16xf32, #tpu.memory_space<vmem>>, vector<16xf32>,
    %broadcast_in_dim3A_194 = arith.constant 0.000000e+00 : f32
    %broadcast_in_dim3A_195 = vector.broadcast %broadcast_in_dim3A_194 : f32 to vector<16xf32>
    %swap3A_196 = arith.constant 9 : i32
    %swap3A_197 = arith.index_cast %swap3A_196 : i32 to index
    %swap3A_198 = arith.constant 0 : index
    %swap3A_199 = tpu.vector_load %arg25[%swap3A_197, %swap3A_198] {strides = array<i32>} : memref<16x16xf32, #tpu.memory_space<vmem>>, vector<16xf32>,
    tpu.vector_store %arg25[%swap3A_197, %swap3A_198], %broadcast_in_dim3A_195 {strides = array<i32>} : memref<16x16xf32, #tpu.memory_space<vmem>>, vector<16xf32>,
    %broadcast_in_dim3A_200 = arith.constant 0.000000e+00 : f32
    %broadcast_in_dim3A_201 = vector.broadcast %broadcast_in_dim3A_200 : f32 to vector<16xf32>
    %swap3A_202 = arith.constant 10 : i32
    %swap3A_203 = arith.index_cast %swap3A_202 : i32 to index
    %swap3A_204 = arith.constant 0 : index
    %swap3A_205 = tpu.vector_load %arg25[%swap3A_203, %swap3A_204] {strides = array<i32>} : memref<16x16xf32, #tpu.memory_space<vmem>>, vector<16xf32>,
    tpu.vector_store %arg25[%swap3A_203, %swap3A_204], %broadcast_in_dim3A_201 {strides = array<i32>} : memref<16x16xf32, #tpu.memory_space<vmem>>, vector<16xf32>,
    %broadcast_in_dim3A_206 = arith.constant 0.000000e+00 : f32
    %broadcast_in_dim3A_207 = vector.broadcast %broadcast_in_dim3A_206 : f32 to vector<16xf32>
    %swap3A_208 = arith.constant 11 : i32
    %swap3A_209 = arith.index_cast %swap3A_208 : i32 to index
    %swap3A_210 = arith.constant 0 : index
    %swap3A_211 = tpu.vector_load %arg25[%swap3A_209, %swap3A_210] {strides = array<i32>} : memref<16x16xf32, #tpu.memory_space<vmem>>, vector<16xf32>,
    tpu.vector_store %arg25[%swap3A_209, %swap3A_210], %broadcast_in_dim3A_207 {strides = array<i32>} : memref<16x16xf32, #tpu.memory_space<vmem>>, vector<16xf32>,
    %broadcast_in_dim3A_212 = arith.constant 0.000000e+00 : f32
    %broadcast_in_dim3A_213 = vector.broadcast %broadcast_in_dim3A_212 : f32 to vector<16xf32>
    %swap3A_214 = arith.constant 12 : i32
    %swap3A_215 = arith.index_cast %swap3A_214 : i32 to index
    %swap3A_216 = arith.constant 0 : index
    %swap3A_217 = tpu.vector_load %arg25[%swap3A_215, %swap3A_216] {strides = array<i32>} : memref<16x16xf32, #tpu.memory_space<vmem>>, vector<16xf32>,
    tpu.vector_store %arg25[%swap3A_215, %swap3A_216], %broadcast_in_dim3A_213 {strides = array<i32>} : memref<16x16xf32, #tpu.memory_space<vmem>>, vector<16xf32>,
    %broadcast_in_dim3A_218 = arith.constant 0.000000e+00 : f32
    %broadcast_in_dim3A_219 = vector.broadcast %broadcast_in_dim3A_218 : f32 to vector<16xf32>
    %swap3A_220 = arith.constant 13 : i32
    %swap3A_221 = arith.index_cast %swap3A_220 : i32 to index
    %swap3A_222 = arith.constant 0 : index
    %swap3A_223 = tpu.vector_load %arg25[%swap3A_221, %swap3A_222] {strides = array<i32>} : memref<16x16xf32, #tpu.memory_space<vmem>>, vector<16xf32>,
    tpu.vector_store %arg25[%swap3A_221, %swap3A_222], %broadcast_in_dim3A_219 {strides = array<i32>} : memref<16x16xf32, #tpu.memory_space<vmem>>, vector<16xf32>,
    %broadcast_in_dim3A_224 = arith.constant 0.000000e+00 : f32
    %broadcast_in_dim3A_225 = vector.broadcast %broadcast_in_dim3A_224 : f32 to vector<16xf32>
    %swap3A_226 = arith.constant 14 : i32
    %swap3A_227 = arith.index_cast %swap3A_226 : i32 to index
    %swap3A_228 = arith.constant 0 : index
    %swap3A_229 = tpu.vector_load %arg25[%swap3A_227, %swap3A_228] {strides = array<i32>} : memref<16x16xf32, #tpu.memory_space<vmem>>, vector<16xf32>,
    tpu.vector_store %arg25[%swap3A_227, %swap3A_228], %broadcast_in_dim3A_225 {strides = array<i32>} : memref<16x16xf32, #tpu.memory_space<vmem>>, vector<16xf32>,
    %broadcast_in_dim3A_230 = arith.constant 0.000000e+00 : f32
    %broadcast_in_dim3A_231 = vector.broadcast %broadcast_in_dim3A_230 : f32 to vector<16xf32>
    %swap3A_232 = arith.constant 15 : i32
    %swap3A_233 = arith.index_cast %swap3A_232 : i32 to index
    %swap3A_234 = arith.constant 0 : index
    %swap3A_235 = tpu.vector_load %arg25[%swap3A_233, %swap3A_234] {strides = array<i32>} : memref<16x16xf32, #tpu.memory_space<vmem>>, vector<16xf32>,
    tpu.vector_store %arg25[%swap3A_233, %swap3A_234], %broadcast_in_dim3A_231 {strides = array<i32>} : memref<16x16xf32, #tpu.memory_space<vmem>>, vector<16xf32>,
    "tpu.region"() ({
      %run_scoped3A = tpu.sem_alloc : memref<!tpu.dma_semaphore, #tpu.memory_space<semaphore_mem>>
      %dma_start3A_242 = arith.constant 0 : i32
      %dma_start3A_243 = arith.constant 0 : i32
      %dma_start3A_244 = tpu.memref_slice %arg26[%dma_start3A_242, %dma_start3A_243] : memref<16x16xf32, #tpu.memory_space<vmem_shared>> -> memref<16x16xf32, #tpu.memory_space<vmem_shared>>
      tpu.enqueue_indirect_dma source(%arg25 : memref<16x16xf32, #tpu.memory_space<vmem>>) target(%dma_start3A_244 : memref<16x16xf32, #tpu.memory_space<vmem_shared>>) offsets(%arg24 : memref<16xi32, #tpu.memory_space<vmem>>) semaphore(%run_scoped3A : memref<!tpu.dma_semaphore, #tpu.memory_space<semaphore_mem>>) {add = true}
      %dma_wait3A_245 = arith.constant 0 : i32
      %dma_wait3A_246 = arith.constant 0 : i32
      %dma_wait3A_247 = tpu.memref_slice %arg26[%dma_wait3A_245, %dma_wait3A_246] : memref<16x16xf32, #tpu.memory_space<vmem_shared>> -> memref<16x16xf32, #tpu.memory_space<vmem_shared>>
      tpu.wait_indirect_dma semaphore(%run_scoped3A : memref<!tpu.dma_semaphore, #tpu.memory_space<semaphore_mem>>) src(%arg25 : memref<16x16xf32, #tpu.memory_space<vmem>>) dst(%dma_wait3A_247 : memref<16x16xf32, #tpu.memory_space<vmem_shared>>)
      tpu.yield
    }) : () -> ()
    %barrier3A_236 = arith.constant 0 : index
    tpu.barrier barrier_id(%barrier3A_236)
    %eq3A_237 = arith.constant 0 : i32
    %eq3A_238 = arith.cmpi eq, %arg1, %eq3A_237 : i32
    %convert_element_type3A_239 = arith.extui %eq3A_238 : i1 to i32
    %cond3A_240 = arith.constant 0 : i32
    %cond3A_241 = arith.cmpi ne, %convert_element_type3A_239, %cond3A_240 : i32
    scf.if %cond3A_241 {
      %run_scoped3A = arith.constant 0 : i32
      "tpu.region"() ({
        %run_scoped3A_252 = tpu.sem_alloc : memref<!tpu.dma_semaphore, #tpu.memory_space<semaphore_mem>>
        %dma_start3A_253 = arith.constant 0 : i32
        %dma_start3A_254 = tpu.memref_slice %arg26[%run_scoped3A, %dma_start3A_253] : memref<16x16xf32, #tpu.memory_space<vmem_shared>> -> memref<1x16xf32, #tpu.memory_space<vmem_shared>>
        %dma_start3A_255 = tpu.memref_squeeze %dma_start3A_254 : memref<1x16xf32, #tpu.memory_space<vmem_shared>> -> memref<16xf32, #tpu.memory_space<vmem_shared>>
        %dma_start3A_256 = arith.constant 0 : i32
        %dma_start3A_257 = tpu.memref_slice %arg26[%run_scoped3A, %dma_start3A_256] : memref<16x16xf32, #tpu.memory_space<vmem_shared>> -> memref<1x16xf32, #tpu.memory_space<vmem_shared>>
        %dma_start3A_258 = tpu.memref_squeeze %dma_start3A_257 : memref<1x16xf32, #tpu.memory_space<vmem_shared>> -> memref<16xf32, #tpu.memory_space<vmem_shared>>
        tpu.enqueue_dma source(%dma_start3A_258 : memref<16xf32, #tpu.memory_space<vmem_shared>>) target(%arg23 : memref<16xf32, #tpu.memory_space<vmem>>) target_semaphore(%run_scoped3A_252 : memref<!tpu.dma_semaphore, #tpu.memory_space<semaphore_mem>>)
        %dma_wait3A_259 = arith.constant 0 : i32
        %dma_wait3A_260 = tpu.memref_slice %arg26[%run_scoped3A, %dma_wait3A_259] : memref<16x16xf32, #tpu.memory_space<vmem_shared>> -> memref<1x16xf32, #tpu.memory_space<vmem_shared>>
        %dma_wait3A_261 = tpu.memref_squeeze %dma_wait3A_260 : memref<1x16xf32, #tpu.memory_space<vmem_shared>> -> memref<16xf32, #tpu.memory_space<vmem_shared>>
        %dma_wait3A_262 = arith.constant 0 : i32
        %dma_wait3A_263 = tpu.memref_slice %arg26[%run_scoped3A, %dma_wait3A_262] : memref<16x16xf32, #tpu.memory_space<vmem_shared>> -> memref<1x16xf32, #tpu.memory_space<vmem_shared>>
        %dma_wait3A_264 = tpu.memref_squeeze %dma_wait3A_263 : memref<1x16xf32, #tpu.memory_space<vmem_shared>> -> memref<16xf32, #tpu.memory_space<vmem_shared>>
        tpu.wait_dma2 semaphore(%run_scoped3A_252 : memref<!tpu.dma_semaphore, #tpu.memory_space<semaphore_mem>>) src(%dma_wait3A_264 : memref<16xf32, #tpu.memory_space<vmem_shared>>) dst(%arg23 : memref<16xf32, #tpu.memory_space<vmem>>)
        tpu.yield
      }) : () -> ()
      %get3A_242 = arith.constant 0 : index
      %get3A_243 = tpu.vector_load %arg23[%get3A_242] {strides = array<i32>} : memref<16xf32, #tpu.memory_space<vmem>>, vector<16xf32>,
      %reduce_sum3A = arith.constant true
      %reduce_sum3A_244 = vector.broadcast %reduce_sum3A : i1 to vector<16xi1>
      %reduce_sum3A_245 = tpu.scan <sum>, %get3A_243 masked %reduce_sum3A_244 : vector<16xf32>, vector<16xi1> -> vector<16xf32>
      %reduce_sum3A_246 = vector.extract %reduce_sum3A_245[15] : f32 from vector<16xf32>
      %mul3A_247 = arith.constant -6.10351563E-5 : f32
      %mul3A_248 = arith.mulf %reduce_sum3A_246, %mul3A_247 : f32
      %broadcast_in_dim3A_249 = vector.broadcast %mul3A_248 : f32 to vector<16xf32>
      %swap3A_250 = arith.constant 0 : index
      %swap3A_251 = tpu.vector_load %arg22[%swap3A_250] {strides = array<i32>} : memref<16xf32, #tpu.memory_space<vmem>>, vector<16xf32>,
      tpu.vector_store %arg22[%swap3A_250], %broadcast_in_dim3A_249 {strides = array<i32>} : memref<16xf32, #tpu.memory_space<vmem>>, vector<16xf32>,
      "tpu.region"() ({
        %run_scoped3A_252 = tpu.sem_alloc : memref<!tpu.dma_semaphore, #tpu.memory_space<semaphore_mem>>
        tpu.enqueue_dma source(%arg22 : memref<16xf32, #tpu.memory_space<vmem>>) target(%arg4 : memref<16xf32, #tpu.memory_space<hbm>>) target_semaphore(%run_scoped3A_252 : memref<!tpu.dma_semaphore, #tpu.memory_space<semaphore_mem>>)
        tpu.wait_dma2 semaphore(%run_scoped3A_252 : memref<!tpu.dma_semaphore, #tpu.memory_space<semaphore_mem>>) src(%arg22 : memref<16xf32, #tpu.memory_space<vmem>>) dst(%arg4 : memref<16xf32, #tpu.memory_space<hbm>>)
        tpu.yield
      }) : () -> ()
    } else {
    }
    return
  }
}

</mosaic_0001>

<sc_bundles>
// kernel: _nll_sc.3.cloned.1.call-start
scs
__scs_entry_jumppad:
0x0: {  	(pc) =	sbr.rel $0x88, $3  }
0x1: {  	(tag) =	ssettag $0x0;
	lr =	simm.s32 $0x1  }
0x2: {  	[smem:$0x3F9F] =	sst lr;
	_ =	strace $0xD0000000  }
0x3: {  	_ = 	snop  }
0x4: {  	_ = 	snop  }
0x5: {  	_ = 	snop  }
0x6: {  	_ = 	snop  }
0x7: {  	_ = 	snop  }
__scs_overlays_trampoline_lowered:
0x8: {  	[smem:$0x3FAE] =	sst s0  }
0x9: {  	[smem:$0x3FAF] =	sst s1  }
0xa: {  	[smem:$0x3FB0] =	sst s2  }
0xb: {  	[smem:$0x3FB1] =	sst s3  }
0xc: {  	[smem:$0x3FB2] =	sst s4  }
0xd: {  	[smem:$0x3FB3] =	sst s5  }
0xe: {  	[smem:$0x3FB4] =	sst s6  }
0xf: {  	[smem:$0x3FB5] =	sst s7  }
0x10: {  	[smem:$0x3FB6] =	sst s8  }
0x11: {  	[smem:$0x3FB7] =	sst s9;
	s0 =	simm.s32 @!p0 $0x0  }
0x12: {  	s1 =	sld [smem:$0x3F9D];
	s0 =	simm.s32 @p0 $0x1  }
0x13: {  	[smem:$0x3FB8] =	sst s0;
	s0 =	simm.s32 @!p1 $0x0  }
0x14: {  	s2 =	sld [smem:$0x3F9C];
	s0 =	simm.s32 @p1 $0x1  }
0x15: {  	[smem:$0x3FB9] =	sst s0;
	s0 =	simm.s32 @!p2 $0x0  }
0x16: {  	s3 =	sld [smem:$0x3FDB];
	s0 =	simm.s32 @p2 $0x1  }
0x17: {  	s4 =	simm.s32 $0x1BF5;
	[smem:$0x3FBB] =	sst s0  }
0x18: {  	s0 =	sld [smem:$0x3F9E];
	_ =	swait.ge [sflag:s4], $0x0  }
0x19: {  	s7 =	sld [smem:$0x3F9F]  }
0x1a: {  	s8 =	sadd.s32 $0xFFFFE003, lr  }
0x1b: {  	s9 =	sadd.s32 $0xFFFFFEF7, lr;
	s5 =	simm.s32 $0xFFFFFFFF;
	p2 =	slt.u32 s8, $0xFFFFF086  }
0x1c: {  	p1 =	slt.u32 s9, $0xF7A;
	s5 =	simm.s32 @!p2 $0x0  }
0x1d: {  	s5 =	simm.s32 @p1 $0x1;
	p0 =	seq.s32 s7, s2  }
0x1e: {  	s7 =	smul.u32 @!p0 $0xF7A, s2;
	p2 =	seq.s32 @!p0 s5, $0x0  }
0x1f: {  	s9 =	smul.u32 $0xF7A, s1;
	s8 =	simm.s32 @!p0 $0x1BF5;
	p2 =	por !p2, p0  }
0x20: {  	[sflag:s8] =	ssyncset.s32 @!p0 $0xFFFFF086;
	s6 =	sadd.s32 @!p0 s3, s7;
	s7 =	simm.s32 @!p0 $0x108  }
0x21: {  	s3 =	sadd.s32 s3, s9;
	s6 =	sadd.s32 @!p0 $0x88, s6;
	s7 =	simm.s32 @p2 $0x1082  }
0x22: {  	[simem:s7], [sflag:s8] =	dma.local @!p0 [hbm:s6], $0xF7A  }
0x23: {  	s9 =	sor.u32 $0xD0000000, s2;
	s6 =	simm.s32 $0x108;
	_ =	swait.ge @!p0 [sflag:s8], $0x0  }
0x24: {  	s3 =	sadd.s32 $0x88, s3;
	s6 =	simm.s32 @!p1 $0x1082;
	[sflag:s4] =	ssyncset.s32 $0xFFFFF086  }
0x25: {  	[simem:s6], [sflag:s4] =	dma.local [hbm:s3], $0xF7A  }
0x26: {  	[smem:$0x3F9F] =	sst s1;
	(tag) =	ssettag s2;
	_ =	strace s9  }
0x27: {  	s1 =	sld [smem:$0x3FAF]  }
0x28: {  	s2 =	sld [smem:$0x3FB0]  }
0x29: {  	s4 =	sld [smem:$0x3FB2]  }
0x2a: {  	p0 =	seq.s32 s5, $0x0;
	s5 =	sld [smem:$0x3FB3]  }
0x2b: {  	s6 =	sld [smem:$0x3FB4]  }
0x2c: {  	s7 =	sld [smem:$0x3FB5]  }
0x2d: {  	s3 =	simm.s32 $0x108;
	s8 =	sld [smem:$0x3FB6]  }
0x2e: {  	s3 =	simm.s32 @!p0 $0x1082;
	s9 =	sld [smem:$0x3FB7]  }
0x2f: {  	lr =	sadd.s32 s0, s3;
	s0 =	sld [smem:$0x3FAE]  }
0x30: {  	s3 =	sld [smem:$0x3FB1]  }
0x31: {  	[smem:$0x3FBA] =	sst s10  }
0x32: {  	s10 =	sld [smem:$0x3FB8];
	_ =	sdelay $0x3  }
0x33: {  	p0 =	seq.s32 s10, $0x1;
	s10 =	sld [smem:$0x3FBA];
	_ =	sdelay $0x3  }
0x34: {  	[smem:$0x3FBA] =	sst s10  }
0x35: {  	s10 =	sld [smem:$0x3FB9];
	_ =	sdelay $0x3  }
0x36: {  	p1 =	seq.s32 s10, $0x1;
	s10 =	sld [smem:$0x3FBA];
	_ =	sdelay $0x3  }
0x37: {  	[smem:$0x3FBA] =	sst s10  }
0x38: {  	s10 =	sld [smem:$0x3FBB]  }
0x39: {  	_ = 	snop;
	(pc) =	sbr.ind lr, $3  }
0x3a: {  	_ = 	snop  }
0x3b: {  	_ = 	snop  }
0x3c: {  	p2 =	seq.s32 s10, $0x1;
	s10 =	sld [smem:$0x3FBA]  }
0x3d: {  	_ =	shalt  }
0x3e: {  	_ =	shalt  }
0x3f: {  	_ =	shalt  }
0x40: {  	_ =	shalt  }
0x41: {  	_ =	shalt  }
0x42: {  	_ =	shalt  }
0x43: {  	_ =	shalt  }
0x44: {  	_ =	shalt  }
0x45: {  	_ =	shalt  }
0x46: {  	_ =	shalt  }
0x47: {  	_ =	shalt  }
0x48: {  	_ =	shalt  }
0x49: {  	_ =	shalt  }
0x4a: {  	_ =	shalt  }
0x4b: {  	_ =	shalt  }
0x4c: {  	_ =	shalt  }
0x4d: {  	_ =	shalt  }
0x4e: {  	_ =	shalt  }
0x4f: {  	_ =	shalt  }
0x50: {  	_ =	shalt  }
0x51: {  	_ =	shalt  }
0x52: {  	_ =	shalt  }
0x53: {  	_ =	shalt  }
0x54: {  	_ =	shalt  }
0x55: {  	_ =	shalt  }
0x56: {  	_ =	shalt  }
0x57: {  	_ =	shalt  }
0x58: {  	_ =	shalt  }
0x59: {  	_ =	shalt  }
0x5a: {  	_ =	shalt  }
0x5b: {  	_ =	shalt  }
0x5c: {  	_ =	shalt  }
0x5d: {  	_ =	shalt  }
0x5e: {  	_ =	shalt  }
0x5f: {  	_ =	shalt  }
0x60: {  	_ =	shalt  }
0x61: {  	_ =	shalt  }
0x62: {  	_ =	shalt  }
0x63: {  	_ =	shalt  }
0x64: {  	_ =	shalt  }
0x65: {  	_ =	shalt  }
0x66: {  	_ =	shalt  }
0x67: {  	_ =	shalt  }
0x68: {  	_ =	shalt  }
0x69: {  	_ =	shalt  }
0x6a: {  	_ =	shalt  }
0x6b: {  	_ =	shalt  }
0x6c: {  	_ =	shalt  }
0x6d: {  	_ =	shalt  }
0x6e: {  	_ =	shalt  }
0x6f: {  	_ =	shalt  }
0x70: {  	_ =	shalt  }
0x71: {  	_ =	shalt  }
0x72: {  	_ =	shalt  }
0x73: {  	_ =	shalt  }
0x74: {  	_ =	shalt  }
0x75: {  	_ =	shalt  }
0x76: {  	_ =	shalt  }
0x77: {  	_ =	shalt  }
0x78: {  	_ =	shalt  }
0x79: {  	_ =	shalt  }
0x7a: {  	_ =	shalt  }
0x7b: {  	_ =	shalt  }
0x7c: {  	_ =	shalt  }
0x7d: {  	_ =	shalt  }
0x7e: {  	_ =	shalt  }
0x7f: {  	_ =	shalt  }
0x80: {  	_ =	shalt  }
0x81: {  	_ =	shalt  }
0x82: {  	_ =	shalt  }
0x83: {  	_ =	shalt  }
0x84: {  	_ =	shalt  }
0x85: {  	_ =	shalt  }
0x86: {  	_ =	shalt  }
0x87: {  	_ =	shalt  }
.Lfunc_end0:
.L_simem_size_0:
called_computation_lowered:
.L_overlay_start_0:
0x88: {  	s0 =	sld [smem:$0x3FD9]  }
0x89: {  	s1 =	sld [smem:$0x3FFE];
	_ =	sdelay $0x3  }
0x8a: {  	s0 =	sadd.s32 s1, s0  }
0x8b: {  	[smem:$0x3FC6] =	sst s0  }
0x8c: {  	_ = 	snop  }
0x8d: {  	s0 =	sld [smem:$0x3FC9]  }
0x8e: {  	s17 =	sld [smem:$0x3FC8]  }
0x8f: {  	s2 =	sld [smem:$0x3FD0];
	(tm) =	ssettm $0x1  }
0x90: {  	s3 =	sld [smem:$0x3FFB];
	_ =	sdelay $0x3  }
0x91: {  	_ =	strace s3  }
0x92: {  	s3 =	sld [smem:$0x3FFC];
	_ =	sdelay $0x3  }
0x93: {  	_ =	strace s3  }
0x94: {  	s3 =	sld [smem:$0x3FFD];
	_ =	sdelay $0x3  }
0x95: {  	_ =	strace s3  }
0x96: {  	_ =	strace $0x8FFFFFFF  }
0x97: {  	s18 =	sld [smem:$0x3FDB];
	_ =	sdelay $0x1  }
0x98: {  	s4 =	simm.s32 $_scs_section_size  }
0x99: {  	s5 =	simm.s32 $_size__tile_overlayer_lowered;
	s6 =	simm.s32 $_tile_overlayer_lowered  }
0x9a: {  	s21 =	simm.s32 $0x1BFF;
	s20 =	sshll.u32 s6, $0x1;
	s3 =	sadd.s32 s4, s18  }
0x9b: {  	s7 =	simm.s32 $0x0;
	s19 =	sshll.u32 s5, $0x1;
	s5 =	sadd.s32 s20, s3  }
0x9c: {  	[timem:s7], [sflag:s21] =	dma.local [hbm:s5], s19  }
0x9d: {  	_ =	swait.ge [sflag:s21], s19  }
0x9e: {  	s4 =	ssub.s32 $0x0, s19;
	[sflag:s21] =	ssyncset.done $0x0  }
0x9f: {  	[sflag:s21] =	ssyncadd.s32 s4;
	_ =	sdelay $0x1  }
0xa0: {  	s22 =	simm.s32 $0x1B8B  }
0xa1: {  	_ =	swait.ge [sflag:s22], $0x1  }
0xa2: {  	[sflag:s22] =	ssyncset.done $0x0  }
0xa3: {  	s23 =	simm.s32 $0x1B8E;
	[sflag:s22] =	ssyncadd.s32 $0xFFFFFFFF  }
0xa4: {  	s24 =	simm.s32 $execute0_lowered;
	[smem:$0x3FD2] =	sst s23  }
0xa5: {  	s4 =	sshll.u32 s24, $0x1;
	_ =	strace $0x80000046;
	[dreg:$0x1] =	wrdreg $0xFFFFFFFF  }
0xa6: {  	s25 =	simm.s32 $_size_execute0_lowered;
	s3 =	sadd.s32 s3, s4;
	[dreg:$0x0] =	wrdreg $0x0  }
0xa7: {  	s4 =	sshll.u32 s25, $0x1;
	[dreg:$0x2] =	wrdreg s3  }
0xa8: {  	[dreg:$0x3] =	wrdreg s4  }
0xa9: {  	[dreg:$0x4] =	wrdreg $0xC0  }
0xaa: {  	_ =	task [dreg:s7], $0x5FFFF  }
0xab: {  	[dreg:$0x1] =	wrdreg $0xFFFFFFFF  }
0xac: {  	[dreg:$0x0] =	wrdreg $0x60  }
0xad: {  	[dreg:$0x2] =	wrdreg s0  }
0xae: {  	[dreg:$0x3] =	wrdreg s17  }
0xaf: {  	[dreg:$0x4] =	wrdreg s2  }
0xb0: {  	[dreg:$0x5] =	wrdreg $0x15800  }
0xb1: {  	[dreg:$0x6] =	wrdreg $0x9  }
0xb2: {  	_ =	task.clear_ibuf [dreg:s7], $0x7FFFF;
	_ =	strace $0x90000046  }
0xb3: {  	s26 =	simm.s32 $0x9;
	_ =	strace $0x80000048  }
0xb4: {  	_ =	swait.ge [sflag:s26], $0x1  }
0xb5: {  	[sflag:s26] =	ssyncadd.s32 $0xFFFFFFFF  }
0xb6: {  	_ =	strace $0x90000048  }
0xb7: {  	_ =	sfence  }
0xb8: {  	s28 =	sld [smem:$0x0];
	_ =	sdelay $0x1  }
0xb9: {  	s29 =	srdreg.scid  }
0xba: {  	s30 =	sshll.u32 s29, $0xD;
	s31 =	sshrl.u32 s29, $0x2  }
0xbb: {  	s1 =	sand.u32 $0x1, s29;
	s2 =	sand.u32 $0x4000, s30;
	s0 =	sadd.s32 s31, s28  }
0xbc: {  	s1 =	sor.u32 s2, s1;
	s0 =	sshll.u32 s0, $0x11  }
0xbd: {  	s0 =	sor.u32 s0, s1  }
0xbe: {  	s0 =	sadd.s32 $0x8F2B, s0  }
0xbf: {  	[sflag:s0] =	ssyncadd.remote.s32 $0x1  }
0xc0: {  	_ =	sfence.sel $0xFFFF  }
0xc1: {  	[dreg:$0x0] =	wrdreg $0xFFFFFFFF;
	(pc) =	sbr.abs _section_cstart, $3  }
0xc2: {  	[dreg:$0x1] =	wrdreg $0xFFFFFFFF  }
0xc3: {  	_ =	task.clear_ibuf [dreg:s7], $0x2FFFF;
	_ =	strace $0x9FFFFFFF  }
0xc4: {  	(tm) =	ssettm $0x7FFFFFFF  }
0xc5: {  	_ =	shalt  }
tec
execute0_lowered:
.L_overlay_start_1:
0x0: {  	(tag) =	ssettag $0x1  }
0x1: {  	s4 =	rddreg [dreg:$0x0]  }
0x2: {  	s5 =	rddreg [dreg:$0x1]  }
0x3: {  	s1 =	rddreg [dreg:$0x2]  }
0x4: {  	s2 =	rddreg [dreg:$0x3]  }
0x5: {  	s0 =	rddreg [dreg:$0x4];
	s6 =	simm.s32 $0x0;
	s3 =	stileid.u32  }
0x6: {  	[smem:$0x7FF] =	sst s6;
	s7 =	sshll.u32 s3, $0x7  }
0x7: {  	s31 =	simm.s32 $0x2;
	_ =	strace $0x80000047;
	s5 =	sadd.s32 s5, s7  }
0x8: {  	[tilespmem:s6], [sflag:$0x2] =	stream.linear.gather [hbm4b:s5+s6], $0x400, $0x38;
	[tilespmem:$0x1590] =	vst v63  }
0x9: {  	_ =	swait.ge [sflag:s31], $0x400  }
0xa: {  	[sflag:s31] =	ssyncset.done $0x0  }
0xb: {  	s6 =	simm.s32 $0x0;
	[sflag:s31] =	ssyncadd.s32 $0xFFFFFC00  }
0xc: {  	v1 =	vld [tilespmem:s6+$0x0];
	_ =	sdelay $0x3  }
0xd: {  	s5 =	sshll.u32 s3, $0xA  }
0xe: {  	v0 =	vmov s5;
	v2 =	vshll.u32 v1, $0x4  }
0xf: {  	v3 =	vshrl.u32 v0, $0x7;
	v2 =	vand.u32 $0x3FFF80, v2  }
0x10: {  	v1 =	vshll.u32 v1, $0x7;
	v2 =	vadd.s32 v3, v2  }
0x11: {  	s7 =	simm.s32 $0x10;
	v1 =	vand.u32 $0x380, v1;
	v2 =	vshll.u32 v2, $0xA  }
0x12: {  	v2 =	vor.u32 v1, v2;
	v1 =	vld [tilespmem:s7+$0x0]  }
0x13: {  	v0 =	vlaneseq.u32  }
0x14: {  	v3 =	vor.u32 s5, v0  }
0x15: {  	v3 =	vand.u32 $0x7F, v3  }
0x16: {  	s9 =	simm.s32 $0x80;
	s8 =	sadd.s32 $0x10, s5;
	v2 =	vor.u32 v3, v2  }
.LBB2_1:
0x17: {  	s10 =	sshra.s32 s9, $0x2;
	p0 =	sne.s32 s9, $0x1C0;
	s9 =	sadd.s32 $0x40, s9;
	v3 =	vmov s8;
	v4 =	vshll.u32 v1, $0x4;
	[tilespmem:s6+$0x400] =	vst v2;
	v2 =	vmov v1  }
.Ltmp0:
0x18: {  	s6 =	smov.u32 s7;
	v1 =	vld [tilespmem:s10+$0x0];
	v4 =	vand.u32 $0x3FFF80, v4;
	v3 =	vshrl.u32 v3, $0x7;
	s7 =	smov.u32 s10;
	(pc) =	sbr.rel @p0 .LBB2_1-.Ltmp0, $4  }
0x19: {  	v2 =	vshll.u32 v2, $0x7;
	v3 =	vadd.s32 v3, v4  }
0x1a: {  	v4 =	vor.u32 s8, v0;
	v2 =	vand.u32 $0x380, v2;
	v3 =	vshll.u32 v3, $0xA  }
0x1b: {  	v2 =	vor.u32 v2, v3;
	v3 =	vand.u32 $0x7F, v4  }
0x1c: {  	s8 =	sadd.s32 $0x10, s8;
	v2 =	vor.u32 v3, v2  }
0x1d: {  	v3 =	vmov s8;
	v4 =	vshll.u32 v1, $0x4  }
0x1e: {  	v4 =	vand.u32 $0x3FFF80, v4;
	v3 =	vshrl.u32 v3, $0x7  }
0x1f: {  	v1 =	vshll.u32 v1, $0x7;
	v3 =	vadd.s32 v3, v4  }
0x20: {  	v0 =	vor.u32 s8, v0;
	v1 =	vand.u32 $0x380, v1;
	v3 =	vshll.u32 v3, $0xA  }
0x21: {  	v0 =	vand.u32 $0x7F, v0;
	v1 =	vor.u32 v1, v3  }
0x22: {  	[tilespmem:s6+$0x400] =	vst v2;
	s28 =	simm.s32 $0x80;
	v0 =	vor.u32 v0, v1  }
0x23: {  	s29 =	simm.s32 $0x400;
	s30 =	simm.s32 $0x800;
	s6 =	simm.s32 $0x0;
	[tilespmem:s7+$0x400] =	vst v0  }
0x24: {  	[tilespmem:s30], [sflag:$0x1] =	stream.indirect.gather [hbm4b:s4+s28], $0x1, s29, s28, $0xb8;
	[tilespmem:$0x1590] =	vst v63  }
0x25: {  	v1 =	vld [tilespmem:s6+$0x80];
	_ =	sdelay $0x3  }
0x26: {  	s31 =	sadd.s32 $0x80, s5  }
0x27: {  	v0 =	vmov s31;
	v2 =	vshll.u32 v1, $0x4  }
0x28: {  	v3 =	vshrl.u32 v0, $0x7;
	v2 =	vand.u32 $0x3FFF80, v2  }
0x29: {  	v1 =	vshll.u32 v1, $0x7;
	v2 =	vadd.s32 v3, v2  }
0x2a: {  	s7 =	simm.s32 $0x10;
	v1 =	vand.u32 $0x380, v1;
	v2 =	vshll.u32 v2, $0xA  }
0x2b: {  	v2 =	vor.u32 v1, v2;
	v1 =	vld [tilespmem:s7+$0x80]  }
0x2c: {  	v0 =	vlaneseq.u32  }
0x2d: {  	v3 =	vor.u32 s31, v0  }
0x2e: {  	v3 =	vand.u32 $0x7F, v3  }
0x2f: {  	s9 =	simm.s32 $0x80;
	s8 =	sadd.s32 $0x10, s31;
	v2 =	vor.u32 v3, v2  }
.LBB2_3:
0x30: {  	s10 =	sshra.s32 s9, $0x2;
	p0 =	sne.s32 s9, $0x1C0;
	s9 =	sadd.s32 $0x40, s9;
	v3 =	vmov s8;
	v4 =	vshll.u32 v1, $0x4;
	[tilespmem:s6+$0x480] =	vst v2;
	v2 =	vmov v1  }
.Ltmp1:
0x31: {  	s6 =	smov.u32 s7;
	v1 =	vld [tilespmem:s10+$0x80];
	v4 =	vand.u32 $0x3FFF80, v4;
	v3 =	vshrl.u32 v3, $0x7;
	s7 =	smov.u32 s10;
	(pc) =	sbr.rel @p0 .LBB2_3-.Ltmp1, $4  }
0x32: {  	v2 =	vshll.u32 v2, $0x7;
	v3 =	vadd.s32 v3, v4  }
0x33: {  	v4 =	vor.u32 s8, v0;
	v2 =	vand.u32 $0x380, v2;
	v3 =	vshll.u32 v3, $0xA  }
0x34: {  	v2 =	vor.u32 v2, v3;
	v3 =	vand.u32 $0x7F, v4  }
0x35: {  	s8 =	sadd.s32 $0x10, s8;
	v2 =	vor.u32 v3, v2  }
0x36: {  	v3 =	vmov s8;
	v4 =	vshll.u32 v1, $0x4  }
0x37: {  	v4 =	vand.u32 $0x3FFF80, v4;
	v3 =	vshrl.u32 v3, $0x7  }
0x38: {  	v1 =	vshll.u32 v1, $0x7;
	v3 =	vadd.s32 v3, v4  }
0x39: {  	v0 =	vor.u32 s8, v0;
	v1 =	vand.u32 $0x380, v1;
	v3 =	vshll.u32 v3, $0xA  }
0x3a: {  	v0 =	vand.u32 $0x7F, v0;
	v1 =	vor.u32 v1, v3  }
0x3b: {  	[tilespmem:s6+$0x480] =	vst v2;
	s28 =	simm.s32 $0x80;
	v0 =	vor.u32 v0, v1  }
0x3c: {  	s29 =	simm.s32 $0x480;
	s30 =	simm.s32 $0x880;
	s6 =	simm.s32 $0x0;
	[tilespmem:s7+$0x480] =	vst v0  }
0x3d: {  	[tilespmem:s30], [sflag:$0x1] =	stream.indirect.gather [hbm4b:s4+s28], $0x1, s29, s28, $0xb8;
	[tilespmem:$0x1590] =	vst v63  }
0x3e: {  	v1 =	vld [tilespmem:s6+$0x100];
	_ =	sdelay $0x3  }
0x3f: {  	s31 =	sadd.s32 $0x100, s5  }
0x40: {  	v0 =	vmov s31;
	v2 =	vshll.u32 v1, $0x4  }
0x41: {  	v3 =	vshrl.u32 v0, $0x7;
	v2 =	vand.u32 $0x3FFF80, v2  }
0x42: {  	v1 =	vshll.u32 v1, $0x7;
	v2 =	vadd.s32 v3, v2  }
0x43: {  	s7 =	simm.s32 $0x10;
	v1 =	vand.u32 $0x380, v1;
	v2 =	vshll.u32 v2, $0xA  }
0x44: {  	v2 =	vor.u32 v1, v2;
	v1 =	vld [tilespmem:s7+$0x100]  }
0x45: {  	v0 =	vlaneseq.u32  }
0x46: {  	v3 =	vor.u32 s31, v0  }
0x47: {  	v3 =	vand.u32 $0x7F, v3  }
0x48: {  	s9 =	simm.s32 $0x80;
	s8 =	sadd.s32 $0x10, s31;
	v2 =	vor.u32 v3, v2  }
.LBB2_5:
0x49: {  	s10 =	sshra.s32 s9, $0x2;
	p0 =	sne.s32 s9, $0x1C0;
	s9 =	sadd.s32 $0x40, s9;
	v3 =	vmov s8;
	v4 =	vshll.u32 v1, $0x4;
	[tilespmem:s6+$0x500] =	vst v2;
	v2 =	vmov v1  }
.Ltmp2:
0x4a: {  	s6 =	smov.u32 s7;
	v1 =	vld [tilespmem:s10+$0x100];
	v4 =	vand.u32 $0x3FFF80, v4;
	v3 =	vshrl.u32 v3, $0x7;
	s7 =	smov.u32 s10;
	(pc) =	sbr.rel @p0 .LBB2_5-.Ltmp2, $4  }
0x4b: {  	v2 =	vshll.u32 v2, $0x7;
	v3 =	vadd.s32 v3, v4  }
0x4c: {  	v4 =	vor.u32 s8, v0;
	v2 =	vand.u32 $0x380, v2;
	v3 =	vshll.u32 v3, $0xA  }
0x4d: {  	v2 =	vor.u32 v2, v3;
	v3 =	vand.u32 $0x7F, v4  }
0x4e: {  	s8 =	sadd.s32 $0x10, s8;
	v2 =	vor.u32 v3, v2  }
0x4f: {  	v3 =	vmov s8;
	v4 =	vshll.u32 v1, $0x4  }
0x50: {  	v4 =	vand.u32 $0x3FFF80, v4;
	v3 =	vshrl.u32 v3, $0x7  }
0x51: {  	v1 =	vshll.u32 v1, $0x7;
	v3 =	vadd.s32 v3, v4  }
0x52: {  	v0 =	vor.u32 s8, v0;
	v1 =	vand.u32 $0x380, v1;
	v3 =	vshll.u32 v3, $0xA  }
0x53: {  	v0 =	vand.u32 $0x7F, v0;
	v1 =	vor.u32 v1, v3  }
0x54: {  	[tilespmem:s6+$0x500] =	vst v2;
	s28 =	simm.s32 $0x80;
	v0 =	vor.u32 v0, v1  }
0x55: {  	s29 =	simm.s32 $0x500;
	s30 =	simm.s32 $0x900;
	s6 =	simm.s32 $0x0;
	[tilespmem:s7+$0x500] =	vst v0  }
0x56: {  	[tilespmem:s30], [sflag:$0x1] =	stream.indirect.gather [hbm4b:s4+s28], $0x1, s29, s28, $0xb8;
	[tilespmem:$0x1590] =	vst v63  }
0x57: {  	v1 =	vld [tilespmem:s6+$0x180];
	_ =	sdelay $0x3  }
0x58: {  	s31 =	sadd.s32 $0x180, s5  }
0x59: {  	v0 =	vmov s31;
	v2 =	vshll.u32 v1, $0x4  }
0x5a: {  	v3 =	vshrl.u32 v0, $0x7;
	v2 =	vand.u32 $0x3FFF80, v2  }
0x5b: {  	v1 =	vshll.u32 v1, $0x7;
	v2 =	vadd.s32 v3, v2  }
0x5c: {  	s7 =	simm.s32 $0x10;
	v1 =	vand.u32 $0x380, v1;
	v2 =	vshll.u32 v2, $0xA  }
0x5d: {  	v2 =	vor.u32 v1, v2;
	v1 =	vld [tilespmem:s7+$0x180]  }
0x5e: {  	v0 =	vlaneseq.u32  }
0x5f: {  	v3 =	vor.u32 s31, v0  }
0x60: {  	v3 =	vand.u32 $0x7F, v3  }
0x61: {  	s9 =	simm.s32 $0x80;
	s8 =	sadd.s32 $0x10, s31;
	v2 =	vor.u32 v3, v2  }
.LBB2_7:
0x62: {  	s10 =	sshra.s32 s9, $0x2;
	p0 =	sne.s32 s9, $0x1C0;
	s9 =	sadd.s32 $0x40, s9;
	v3 =	vmov s8;
	v4 =	vshll.u32 v1, $0x4;
	[tilespmem:s6+$0x580] =	vst v2;
	v2 =	vmov v1  }
.Ltmp3:
0x63: {  	s6 =	smov.u32 s7;
	v1 =	vld [tilespmem:s10+$0x180];
	v4 =	vand.u32 $0x3FFF80, v4;
	v3 =	vshrl.u32 v3, $0x7;
	s7 =	smov.u32 s10;
	(pc) =	sbr.rel @p0 .LBB2_7-.Ltmp3, $4  }
0x64: {  	v2 =	vshll.u32 v2, $0x7;
	v3 =	vadd.s32 v3, v4  }
0x65: {  	v4 =	vor.u32 s8, v0;
	v2 =	vand.u32 $0x380, v2;
	v3 =	vshll.u32 v3, $0xA  }
0x66: {  	v2 =	vor.u32 v2, v3;
	v3 =	vand.u32 $0x7F, v4  }
0x67: {  	s8 =	sadd.s32 $0x10, s8;
	v2 =	vor.u32 v3, v2  }
0x68: {  	v3 =	vmov s8;
	v4 =	vshll.u32 v1, $0x4  }
0x69: {  	v4 =	vand.u32 $0x3FFF80, v4;
	v3 =	vshrl.u32 v3, $0x7  }
0x6a: {  	v1 =	vshll.u32 v1, $0x7;
	v3 =	vadd.s32 v3, v4  }
0x6b: {  	v0 =	vor.u32 s8, v0;
	v1 =	vand.u32 $0x380, v1;
	v3 =	vshll.u32 v3, $0xA  }
0x6c: {  	v0 =	vand.u32 $0x7F, v0;
	v1 =	vor.u32 v1, v3  }
0x6d: {  	[tilespmem:s6+$0x580] =	vst v2;
	s28 =	simm.s32 $0x80;
	v0 =	vor.u32 v0, v1  }
0x6e: {  	s29 =	simm.s32 $0x580;
	s30 =	simm.s32 $0x980;
	s6 =	simm.s32 $0x0;
	[tilespmem:s7+$0x580] =	vst v0  }
0x6f: {  	[tilespmem:s30], [sflag:$0x1] =	stream.indirect.gather [hbm4b:s4+s28], $0x1, s29, s28, $0xb8;
	[tilespmem:$0x1590] =	vst v63  }
0x70: {  	v1 =	vld [tilespmem:s6+$0x200];
	_ =	sdelay $0x3  }
0x71: {  	s31 =	sadd.s32 $0x200, s5  }
0x72: {  	v0 =	vmov s31;
	v2 =	vshll.u32 v1, $0x4  }
0x73: {  	v3 =	vshrl.u32 v0, $0x7;
	v2 =	vand.u32 $0x3FFF80, v2  }
0x74: {  	v1 =	vshll.u32 v1, $0x7;
	v2 =	vadd.s32 v3, v2  }
0x75: {  	s7 =	simm.s32 $0x10;
	v1 =	vand.u32 $0x380, v1;
	v2 =	vshll.u32 v2, $0xA  }
0x76: {  	v2 =	vor.u32 v1, v2;
	v1 =	vld [tilespmem:s7+$0x200]  }
0x77: {  	v0 =	vlaneseq.u32  }
0x78: {  	v3 =	vor.u32 s31, v0  }
0x79: {  	v3 =	vand.u32 $0x7F, v3  }
0x7a: {  	s9 =	simm.s32 $0x80;
	s8 =	sadd.s32 $0x10, s31;
	v2 =	vor.u32 v3, v2  }
.LBB2_9:
0x7b: {  	s10 =	sshra.s32 s9, $0x2;
	p0 =	sne.s32 s9, $0x1C0;
	s9 =	sadd.s32 $0x40, s9;
	v3 =	vmov s8;
	v4 =	vshll.u32 v1, $0x4;
	[tilespmem:s6+$0x600] =	vst v2;
	v2 =	vmov v1  }
.Ltmp4:
0x7c: {  	s6 =	smov.u32 s7;
	v1 =	vld [tilespmem:s10+$0x200];
	v4 =	vand.u32 $0x3FFF80, v4;
	v3 =	vshrl.u32 v3, $0x7;
	s7 =	smov.u32 s10;
	(pc) =	sbr.rel @p0 .LBB2_9-.Ltmp4, $4  }
0x7d: {  	v2 =	vshll.u32 v2, $0x7;
	v3 =	vadd.s32 v3, v4  }
0x7e: {  	v4 =	vor.u32 s8, v0;
	v2 =	vand.u32 $0x380, v2;
	v3 =	vshll.u32 v3, $0xA  }
0x7f: {  	v2 =	vor.u32 v2, v3;
	v3 =	vand.u32 $0x7F, v4  }
0x80: {  	s8 =	sadd.s32 $0x10, s8;
	v2 =	vor.u32 v3, v2  }
0x81: {  	v3 =	vmov s8;
	v4 =	vshll.u32 v1, $0x4  }
0x82: {  	v4 =	vand.u32 $0x3FFF80, v4;
	v3 =	vshrl.u32 v3, $0x7  }
0x83: {  	v1 =	vshll.u32 v1, $0x7;
	v3 =	vadd.s32 v3, v4  }
0x84: {  	v0 =	vor.u32 s8, v0;
	v1 =	vand.u32 $0x380, v1;
	v3 =	vshll.u32 v3, $0xA  }
0x85: {  	v0 =	vand.u32 $0x7F, v0;
	v1 =	vor.u32 v1, v3  }
0x86: {  	[tilespmem:s6+$0x600] =	vst v2;
	s28 =	simm.s32 $0x80;
	v0 =	vor.u32 v0, v1  }
0x87: {  	s29 =	simm.s32 $0x600;
	s30 =	simm.s32 $0xA00;
	s6 =	simm.s32 $0x0;
	[tilespmem:s7+$0x600] =	vst v0  }
0x88: {  	[tilespmem:s30], [sflag:$0x1] =	stream.indirect.gather [hbm4b:s4+s28], $0x1, s29, s28, $0xb8;
	[tilespmem:$0x1590] =	vst v63  }
0x89: {  	v1 =	vld [tilespmem:s6+$0x280];
	_ =	sdelay $0x3  }
0x8a: {  	s31 =	sadd.s32 $0x280, s5  }
0x8b: {  	v0 =	vmov s31;
	v2 =	vshll.u32 v1, $0x4  }
0x8c: {  	v3 =	vshrl.u32 v0, $0x7;
	v2 =	vand.u32 $0x3FFF80, v2  }
0x8d: {  	v1 =	vshll.u32 v1, $0x7;
	v2 =	vadd.s32 v3, v2  }
0x8e: {  	s7 =	simm.s32 $0x10;
	v1 =	vand.u32 $0x380, v1;
	v2 =	vshll.u32 v2, $0xA  }
0x8f: {  	v2 =	vor.u32 v1, v2;
	v1 =	vld [tilespmem:s7+$0x280]  }
0x90: {  	v0 =	vlaneseq.u32  }
0x91: {  	v3 =	vor.u32 s31, v0  }
0x92: {  	v3 =	vand.u32 $0x7F, v3  }
0x93: {  	s9 =	simm.s32 $0x80;
	s8 =	sadd.s32 $0x10, s31;
	v2 =	vor.u32 v3, v2  }
.LBB2_11:
0x94: {  	s10 =	sshra.s32 s9, $0x2;
	p0 =	sne.s32 s9, $0x1C0;
	s9 =	sadd.s32 $0x40, s9;
	v3 =	vmov s8;
	v4 =	vshll.u32 v1, $0x4;
	[tilespmem:s6+$0x680] =	vst v2;
	v2 =	vmov v1  }
.Ltmp5:
0x95: {  	s6 =	smov.u32 s7;
	v1 =	vld [tilespmem:s10+$0x280];
	v4 =	vand.u32 $0x3FFF80, v4;
	v3 =	vshrl.u32 v3, $0x7;
	s7 =	smov.u32 s10;
	(pc) =	sbr.rel @p0 .LBB2_11-.Ltmp5, $4  }
0x96: {  	v2 =	vshll.u32 v2, $0x7;
	v3 =	vadd.s32 v3, v4  }
0x97: {  	v4 =	vor.u32 s8, v0;
	v2 =	vand.u32 $0x380, v2;
	v3 =	vshll.u32 v3, $0xA  }
0x98: {  	v2 =	vor.u32 v2, v3;
	v3 =	vand.u32 $0x7F, v4  }
0x99: {  	s8 =	sadd.s32 $0x10, s8;
	v2 =	vor.u32 v3, v2  }
0x9a: {  	v3 =	vmov s8;
	v4 =	vshll.u32 v1, $0x4  }
0x9b: {  	v4 =	vand.u32 $0x3FFF80, v4;
	v3 =	vshrl.u32 v3, $0x7  }
0x9c: {  	v1 =	vshll.u32 v1, $0x7;
	v3 =	vadd.s32 v3, v4  }
0x9d: {  	v0 =	vor.u32 s8, v0;
	v1 =	vand.u32 $0x380, v1;
	v3 =	vshll.u32 v3, $0xA  }
0x9e: {  	v0 =	vand.u32 $0x7F, v0;
	v1 =	vor.u32 v1, v3  }
0x9f: {  	[tilespmem:s6+$0x680] =	vst v2;
	s28 =	simm.s32 $0x80;
	v0 =	vor.u32 v0, v1  }
0xa0: {  	s29 =	simm.s32 $0x680;
	s30 =	simm.s32 $0xA80;
	s6 =	simm.s32 $0x0;
	[tilespmem:s7+$0x680] =	vst v0  }
0xa1: {  	[tilespmem:s30], [sflag:$0x1] =	stream.indirect.gather [hbm4b:s4+s28], $0x1, s29, s28, $0xb8;
	[tilespmem:$0x1590] =	vst v63  }
0xa2: {  	v1 =	vld [tilespmem:s6+$0x300];
	_ =	sdelay $0x3  }
0xa3: {  	s31 =	sadd.s32 $0x300, s5  }
0xa4: {  	v0 =	vmov s31;
	v2 =	vshll.u32 v1, $0x4  }
0xa5: {  	v3 =	vshrl.u32 v0, $0x7;
	v2 =	vand.u32 $0x3FFF80, v2  }
0xa6: {  	v1 =	vshll.u32 v1, $0x7;
	v2 =	vadd.s32 v3, v2  }
0xa7: {  	s7 =	simm.s32 $0x10;
	v1 =	vand.u32 $0x380, v1;
	v2 =	vshll.u32 v2, $0xA  }
0xa8: {  	v2 =	vor.u32 v1, v2;
	v1 =	vld [tilespmem:s7+$0x300]  }
0xa9: {  	v0 =	vlaneseq.u32  }
0xaa: {  	v3 =	vor.u32 s31, v0  }
0xab: {  	v3 =	vand.u32 $0x7F, v3  }
0xac: {  	s9 =	simm.s32 $0x80;
	s8 =	sadd.s32 $0x10, s31;
	v2 =	vor.u32 v3, v2  }
.LBB2_13:
0xad: {  	s10 =	sshra.s32 s9, $0x2;
	p0 =	sne.s32 s9, $0x1C0;
	s9 =	sadd.s32 $0x40, s9;
	v3 =	vmov s8;
	v4 =	vshll.u32 v1, $0x4;
	[tilespmem:s6+$0x700] =	vst v2;
	v2 =	vmov v1  }
.Ltmp6:
0xae: {  	s6 =	smov.u32 s7;
	v1 =	vld [tilespmem:s10+$0x300];
	v4 =	vand.u32 $0x3FFF80, v4;
	v3 =	vshrl.u32 v3, $0x7;
	s7 =	smov.u32 s10;
	(pc) =	sbr.rel @p0 .LBB2_13-.Ltmp6, $4  }
0xaf: {  	v2 =	vshll.u32 v2, $0x7;
	v3 =	vadd.s32 v3, v4  }
0xb0: {  	v4 =	vor.u32 s8, v0;
	v2 =	vand.u32 $0x380, v2;
	v3 =	vshll.u32 v3, $0xA  }
0xb1: {  	v2 =	vor.u32 v2, v3;
	v3 =	vand.u32 $0x7F, v4  }
0xb2: {  	s8 =	sadd.s32 $0x10, s8;
	v2 =	vor.u32 v3, v2  }
0xb3: {  	v3 =	vmov s8;
	v4 =	vshll.u32 v1, $0x4  }
0xb4: {  	v4 =	vand.u32 $0x3FFF80, v4;
	v3 =	vshrl.u32 v3, $0x7  }
0xb5: {  	v1 =	vshll.u32 v1, $0x7;
	v3 =	vadd.s32 v3, v4  }
0xb6: {  	v0 =	vor.u32 s8, v0;
	v1 =	vand.u32 $0x380, v1;
	v3 =	vshll.u32 v3, $0xA  }
0xb7: {  	v0 =	vand.u32 $0x7F, v0;
	v1 =	vor.u32 v1, v3  }
0xb8: {  	[tilespmem:s6+$0x700] =	vst v2;
	s28 =	simm.s32 $0x80;
	v0 =	vor.u32 v0, v1  }
0xb9: {  	s29 =	simm.s32 $0x700;
	s30 =	simm.s32 $0xB00;
	s6 =	simm.s32 $0x0;
	[tilespmem:s7+$0x700] =	vst v0  }
0xba: {  	[tilespmem:s30], [sflag:$0x1] =	stream.indirect.gather [hbm4b:s4+s28], $0x1, s29, s28, $0xb8;
	[tilespmem:$0x1590] =	vst v63  }
0xbb: {  	v1 =	vld [tilespmem:s6+$0x380];
	_ =	sdelay $0x3  }
0xbc: {  	s31 =	sadd.s32 $0x380, s5  }
0xbd: {  	v0 =	vmov s31;
	v2 =	vshll.u32 v1, $0x4  }
0xbe: {  	v3 =	vshrl.u32 v0, $0x7;
	v2 =	vand.u32 $0x3FFF80, v2  }
0xbf: {  	v1 =	vshll.u32 v1, $0x7;
	v2 =	vadd.s32 v3, v2  }
0xc0: {  	s5 =	simm.s32 $0x10;
	v1 =	vand.u32 $0x380, v1;
	v2 =	vshll.u32 v2, $0xA  }
0xc1: {  	v2 =	vor.u32 v1, v2;
	v1 =	vld [tilespmem:s5+$0x380]  }
0xc2: {  	v0 =	vlaneseq.u32  }
0xc3: {  	v3 =	vor.u32 s31, v0  }
0xc4: {  	v3 =	vand.u32 $0x7F, v3  }
0xc5: {  	s8 =	simm.s32 $0x80;
	s7 =	sadd.s32 $0x10, s31;
	v2 =	vor.u32 v3, v2  }
.LBB2_15:
0xc6: {  	s9 =	sshra.s32 s8, $0x2;
	p0 =	sne.s32 s8, $0x1C0;
	s8 =	sadd.s32 $0x40, s8;
	v3 =	vmov s7;
	v4 =	vshll.u32 v1, $0x4;
	[tilespmem:s6+$0x780] =	vst v2;
	v2 =	vmov v1  }
.Ltmp7:
0xc7: {  	s6 =	smov.u32 s5;
	v1 =	vld [tilespmem:s9+$0x380];
	v4 =	vand.u32 $0x3FFF80, v4;
	v3 =	vshrl.u32 v3, $0x7;
	s5 =	smov.u32 s9;
	(pc) =	sbr.rel @p0 .LBB2_15-.Ltmp7, $4  }
0xc8: {  	v2 =	vshll.u32 v2, $0x7;
	v3 =	vadd.s32 v3, v4  }
0xc9: {  	v4 =	vor.u32 s7, v0;
	v2 =	vand.u32 $0x380, v2;
	v3 =	vshll.u32 v3, $0xA  }
0xca: {  	v2 =	vor.u32 v2, v3;
	v3 =	vand.u32 $0x7F, v4  }
0xcb: {  	s7 =	sadd.s32 $0x10, s7;
	v2 =	vor.u32 v3, v2  }
0xcc: {  	v3 =	vmov s7;
	v4 =	vshll.u32 v1, $0x4  }
0xcd: {  	v4 =	vand.u32 $0x3FFF80, v4;
	v3 =	vshrl.u32 v3, $0x7  }
0xce: {  	v54 =	vshll.u32 v1, $0x7;
	v3 =	vadd.s32 v3, v4  }
0xcf: {  	v0 =	vor.u32 s7, v0;
	v1 =	vand.u32 $0x380, v54;
	v3 =	vshll.u32 v3, $0xA  }
0xd0: {  	v0 =	vand.u32 $0x7F, v0;
	v1 =	vor.u32 v1, v3  }
0xd1: {  	[tilespmem:s6+$0x780] =	vst v2;
	s23 =	simm.s32 $0x80;
	v0 =	vor.u32 v0, v1  }
0xd2: {  	s24 =	simm.s32 $0x780;
	s25 =	simm.s32 $0xB80;
	s26 =	simm.s32 $0x1;
	[tilespmem:s5+$0x780] =	vst v0  }
0xd3: {  	[tilespmem:s25], [sflag:$0x1] =	stream.indirect.gather [hbm4b:s4+s23], $0x1, s24, s23, $0xb8;
	[tilespmem:$0x1590] =	vst v63  }
0xd4: {  	_ =	swait.ge [sflag:s26], $0x80  }
0xd5: {  	[sflag:s26] =	ssyncset.done $0x0  }
0xd6: {  	[sflag:s26] =	ssyncadd.s32 $0xFFFFFF80  }
0xd7: {  	v55 =	vld [tilespmem:$0x800];
	_ =	sdelay $0x1  }
0xd8: {  	v56 =	vld [tilespmem:$0x810];
	_ =	sdelay $0x1  }
0xd9: {  	v57 =	vld [tilespmem:$0x820]  }
0xda: {  	v0 =	vadd.f32 $0.0e+00, v55  }
0xdb: {  	v58 =	vld [tilespmem:$0x830]  }
0xdc: {  	v0 =	vadd.f32 v56, v0  }
0xdd: {  	v59 =	vld [tilespmem:$0x840]  }
0xde: {  	v0 =	vadd.f32 v57, v0  }
0xdf: {  	v60 =	vld [tilespmem:$0x850]  }
0xe0: {  	v0 =	vadd.f32 v58, v0  }
0xe1: {  	v61 =	vld [tilespmem:$0x860]  }
0xe2: {  	v62 =	vld [tilespmem:$0x870];
	_ =	swait.ge [sflag:s26], $0x80;
	v0 =	vadd.f32 v59, v0  }
0xe3: {  	[sflag:s26] =	ssyncset.done $0x0  }
0xe4: {  	[sflag:s26] =	ssyncadd.s32 $0xFFFFFF80;
	v0 =	vadd.f32 v60, v0  }
0xe5: {  	v63 =	vld [tilespmem:$0x880]  }
0xe6: {  	v0 =	vadd.f32 v61, v0  }
0xe7: {  	v6 =	vld [tilespmem:$0x890]  }
0xe8: {  	v0 =	vadd.f32 v62, v0  }
0xe9: {  	v7 =	vld [tilespmem:$0x8A0]  }
0xea: {  	v0 =	vadd.f32 v63, v0  }
0xeb: {  	v8 =	vld [tilespmem:$0x8B0]  }
0xec: {  	v0 =	vadd.f32 v6, v0  }
0xed: {  	v9 =	vld [tilespmem:$0x8C0]  }
0xee: {  	v0 =	vadd.f32 v7, v0  }
0xef: {  	v10 =	vld [tilespmem:$0x8D0]  }
0xf0: {  	v0 =	vadd.f32 v8, v0  }
0xf1: {  	v11 =	vld [tilespmem:$0x8E0]  }
0xf2: {  	v12 =	vld [tilespmem:$0x8F0];
	_ =	swait.ge [sflag:s26], $0x80;
	v0 =	vadd.f32 v9, v0  }
0xf3: {  	[sflag:s26] =	ssyncset.done $0x0  }
0xf4: {  	[sflag:s26] =	ssyncadd.s32 $0xFFFFFF80;
	v0 =	vadd.f32 v10, v0  }
0xf5: {  	v13 =	vld [tilespmem:$0x900]  }
0xf6: {  	v0 =	vadd.f32 v11, v0  }
0xf7: {  	v14 =	vld [tilespmem:$0x910]  }
0xf8: {  	v0 =	vadd.f32 v12, v0  }
0xf9: {  	v15 =	vld [tilespmem:$0x920]  }
0xfa: {  	v0 =	vadd.f32 v13, v0  }
0xfb: {  	v16 =	vld [tilespmem:$0x930]  }
0xfc: {  	v0 =	vadd.f32 v14, v0  }
0xfd: {  	v17 =	vld [tilespmem:$0x940]  }
0xfe: {  	v0 =	vadd.f32 v15, v0  }
0xff: {  	v18 =	vld [tilespmem:$0x950]  }
0x100: {  	v0 =	vadd.f32 v16, v0  }
0x101: {  	v19 =	vld [tilespmem:$0x960]  }
0x102: {  	v20 =	vld [tilespmem:$0x970];
	_ =	swait.ge [sflag:s26], $0x80;
	v0 =	vadd.f32 v17, v0  }
0x103: {  	[sflag:s26] =	ssyncset.done $0x0  }
0x104: {  	[sflag:s26] =	ssyncadd.s32 $0xFFFFFF80;
	v0 =	vadd.f32 v18, v0  }
0x105: {  	v21 =	vld [tilespmem:$0x980]  }
0x106: {  	v0 =	vadd.f32 v19, v0  }
0x107: {  	v22 =	vld [tilespmem:$0x990]  }
0x108: {  	v0 =	vadd.f32 v20, v0  }
0x109: {  	v23 =	vld [tilespmem:$0x9A0]  }
0x10a: {  	v0 =	vadd.f32 v21, v0  }
0x10b: {  	v24 =	vld [tilespmem:$0x9B0]  }
0x10c: {  	v0 =	vadd.f32 v22, v0  }
0x10d: {  	v25 =	vld [tilespmem:$0x9C0]  }
0x10e: {  	v0 =	vadd.f32 v23, v0  }
0x10f: {  	v26 =	vld [tilespmem:$0x9D0]  }
0x110: {  	v0 =	vadd.f32 v24, v0  }
0x111: {  	v27 =	vld [tilespmem:$0x9E0]  }
0x112: {  	v28 =	vld [tilespmem:$0x9F0];
	_ =	swait.ge [sflag:s26], $0x80;
	v0 =	vadd.f32 v25, v0  }
0x113: {  	[sflag:s26] =	ssyncset.done $0x0  }
0x114: {  	[sflag:s26] =	ssyncadd.s32 $0xFFFFFF80;
	v0 =	vadd.f32 v26, v0  }
0x115: {  	v29 =	vld [tilespmem:$0xA00]  }
0x116: {  	v0 =	vadd.f32 v27, v0  }
0x117: {  	v30 =	vld [tilespmem:$0xA10]  }
0x118: {  	v0 =	vadd.f32 v28, v0  }
0x119: {  	v31 =	vld [tilespmem:$0xA20]  }
0x11a: {  	v0 =	vadd.f32 v29, v0  }
0x11b: {  	v32 =	vld [tilespmem:$0xA30]  }
0x11c: {  	v0 =	vadd.f32 v30, v0  }
0x11d: {  	v33 =	vld [tilespmem:$0xA40]  }
0x11e: {  	v0 =	vadd.f32 v31, v0  }
0x11f: {  	v34 =	vld [tilespmem:$0xA50]  }
0x120: {  	v0 =	vadd.f32 v32, v0  }
0x121: {  	v35 =	vld [tilespmem:$0xA60]  }
0x122: {  	v36 =	vld [tilespmem:$0xA70];
	_ =	swait.ge [sflag:s26], $0x80;
	v0 =	vadd.f32 v33, v0  }
0x123: {  	[sflag:s26] =	ssyncset.done $0x0  }
0x124: {  	[sflag:s26] =	ssyncadd.s32 $0xFFFFFF80;
	v0 =	vadd.f32 v34, v0  }
0x125: {  	v37 =	vld [tilespmem:$0xA80]  }
0x126: {  	v0 =	vadd.f32 v35, v0  }
0x127: {  	v38 =	vld [tilespmem:$0xA90]  }
0x128: {  	v0 =	vadd.f32 v36, v0  }
0x129: {  	v39 =	vld [tilespmem:$0xAA0]  }
0x12a: {  	v0 =	vadd.f32 v37, v0  }
0x12b: {  	v40 =	vld [tilespmem:$0xAB0]  }
0x12c: {  	v0 =	vadd.f32 v38, v0  }
0x12d: {  	v41 =	vld [tilespmem:$0xAC0]  }
0x12e: {  	v0 =	vadd.f32 v39, v0  }
0x12f: {  	v42 =	vld [tilespmem:$0xAD0]  }
0x130: {  	v0 =	vadd.f32 v40, v0  }
0x131: {  	v43 =	vld [tilespmem:$0xAE0]  }
0x132: {  	v44 =	vld [tilespmem:$0xAF0];
	_ =	swait.ge [sflag:s26], $0x80;
	v0 =	vadd.f32 v41, v0  }
0x133: {  	[sflag:s26] =	ssyncset.done $0x0  }
0x134: {  	[sflag:s26] =	ssyncadd.s32 $0xFFFFFF80;
	v0 =	vadd.f32 v42, v0  }
0x135: {  	v45 =	vld [tilespmem:$0xB00]  }
0x136: {  	v0 =	vadd.f32 v43, v0  }
0x137: {  	v46 =	vld [tilespmem:$0xB10]  }
0x138: {  	v0 =	vadd.f32 v44, v0  }
0x139: {  	v47 =	vld [tilespmem:$0xB20]  }
0x13a: {  	v0 =	vadd.f32 v45, v0  }
0x13b: {  	v48 =	vld [tilespmem:$0xB30]  }
0x13c: {  	v0 =	vadd.f32 v46, v0  }
0x13d: {  	v49 =	vld [tilespmem:$0xB40]  }
0x13e: {  	v0 =	vadd.f32 v47, v0  }
0x13f: {  	v50 =	vld [tilespmem:$0xB50]  }
0x140: {  	v0 =	vadd.f32 v48, v0  }
0x141: {  	v51 =	vld [tilespmem:$0xB60]  }
0x142: {  	v52 =	vld [tilespmem:$0xB70];
	_ =	swait.ge [sflag:s26], $0x80;
	v0 =	vadd.f32 v49, v0  }
0x143: {  	[sflag:s26] =	ssyncset.done $0x0  }
0x144: {  	[sflag:s26] =	ssyncadd.s32 $0xFFFFFF80;
	v0 =	vadd.f32 v50, v0  }
0x145: {  	v53 =	vld [tilespmem:$0xB80]  }
0x146: {  	v0 =	vadd.f32 v51, v0  }
0x147: {  	v54 =	vld [tilespmem:$0xB90]  }
0x148: {  	v0 =	vadd.f32 v52, v0  }
0x149: {  	v55 =	vld [tilespmem:$0xBA0]  }
0x14a: {  	v0 =	vadd.f32 v53, v0  }
0x14b: {  	v56 =	vld [tilespmem:$0xBB0]  }
0x14c: {  	v0 =	vadd.f32 v54, v0  }
0x14d: {  	v57 =	vld [tilespmem:$0xBC0]  }
0x14e: {  	v0 =	vadd.f32 v55, v0  }
0x14f: {  	v58 =	vld [tilespmem:$0xBD0]  }
0x150: {  	v0 =	vadd.f32 v56, v0  }
0x151: {  	v59 =	vld [tilespmem:$0xBE0]  }
0x152: {  	v0 =	vadd.f32 v57, v0  }
0x153: {  	v60 =	vld [tilespmem:$0xBF0]  }
0x154: {  	v0 =	vadd.f32 v58, v0;
	_ =	sdelay $0x1  }
0x155: {  	v0 =	vadd.f32 v59, v0;
	_ =	sdelay $0x1  }
0x156: {  	v0 =	vadd.f32 v60, v0  }
0x157: {  	p0 =	sne.s32 s3, $0x0  }
0x158: {  	[tilespmem:$0xC00] =	vst v0;
	v0 =	vimm.f32 @!p0 $0.0e+00  }
0x159: {  	s3 =	simm.s32 @!p0 $0xC80;
	s4 =	simm.s32 @!p0 $0x2;
	[tilespmem:$0xC80] =	vst @!p0 v0  }
0x15a: {  	[spmem:s2] =	stream.linear.scatter @!p0 [tilespmem:s3], [sflag:$0x2], $0x80, $0x38;
	[tilespmem:$0x1590] =	vst v63  }
0x15b: {  	_ =	swait.ge @!p0 [sflag:s4], $0x80  }
0x15c: {  	[sflag:s4] =	ssyncset.done @!p0 $0x0  }
0x15d: {  	[sflag:s4] =	ssyncadd.s32 @!p0 $0xFFFFFF80  }
0x15e: {  	v62 =	vlaneseq.u32;
	[bflag:$0x0] =	sbarrier.arrive $0xFFFF  }
0x15f: {  	v63 =	vimm.f32 $0.0e+00;
	[tilespmem:$0xD00] =	vst v62  }
0x160: {  	[tilespmem:$0xE00] =	vst v63  }
0x161: {  	[tilespmem:$0xE80] =	vst v63  }
0x162: {  	[tilespmem:$0xF00] =	vst v63  }
0x163: {  	[tilespmem:$0xF80] =	vst v63  }
0x164: {  	[tilespmem:$0x1000] =	vst v63  }
0x165: {  	[tilespmem:$0x1080] =	vst v63  }
0x166: {  	[tilespmem:$0x1100] =	vst v63  }
0x167: {  	[tilespmem:$0x1180] =	vst v63  }
0x168: {  	[tilespmem:$0x1200] =	vst v63  }
0x169: {  	[tilespmem:$0x1280] =	vst v63  }
0x16a: {  	v61 =	vld [tilespmem:$0xC00];
	[tilespmem:$0x1300] =	vst v63  }
0x16b: {  	[tilespmem:$0x1380] =	vst v63  }
0x16c: {  	[tilespmem:$0x1400] =	vst v63  }
0x16d: {  	[tilespmem:$0x1480] =	vst v63  }
0x16e: {  	s28 =	simm.s32 $0x10;
	[tilespmem:$0x1500] =	vst v63  }
0x16f: {  	s29 =	simm.s32 $0xD00;
	s30 =	simm.s32 $0xD80;
	s31 =	simm.s32 $0x2;
	[tilespmem:$0xD80] =	vst v61  }
0x170: {  	[spmem:s2] =	stream.indirect.scatter.add.f32 [tilespmem:s30], [sflag:$0x2], $0x10, s29, s28, $0xb8;
	[tilespmem:$0x1590] =	vst v63  }
0x171: {  	_ =	swait.ge [sflag:s31], $0x100  }
0x172: {  	[sflag:s31] =	ssyncset.done $0x0  }
0x173: {  	[sflag:s31] =	ssyncadd.s32 $0xFFFFFF00  }
0x174: {  	[bflag:$0x0] =	sbarrier.arrive $0xFFFF  }
0x175: {  	_ =	sfence.sel @p0 $0x180000  }
0x176: {  	[bflag:$0x0] =	sbarrier.arrive @p0 $0xFFFF  }
0x177: {  	_ =	strace @p0 $0x90000047  }
0x178: {  	[bflag:$0x2] =	sbarrier.arrive @p0 $0xFFFF  }
0x179: {  	[tilespmem:s3], [sflag:$0x2] =	stream.linear.gather @!p0 [spmem:s2], $0x80, $0x38;
	[tilespmem:$0x1590] =	vst v63  }
0x17a: {  	_ =	swait.ge @!p0 [sflag:s4], $0x80  }
0x17b: {  	[sflag:s4] =	ssyncset.done @!p0 $0x0  }
0x17c: {  	[sflag:s4] =	ssyncadd.s32 @!p0 $0xFFFFFF80  }
0x17d: {  	v0 =	vld @!p0 [tilespmem:$0xC80];
	_ =	sdelay $0x4  }
0x17e: {  	(xrf2) =	vadd.scan.msk.f32 @!p0 $0xffff, v0;
	_ =	sdelay $0x9  }
0x17f: {  	v0, _, _ =	vpop @!p0 (xrf2)  }
0x180: {  	(v2sf) =	vpush @!p0 v0, $0xF;
	_ =	sdelay $0xe  }
0x181: {  	s2 =	spop @!p0 (v2sf)  }
0x182: {  	s2 =	smul.f32 @!p0 $-6.103515630e-05, s2;
	_ =	sdelay $0x1  }
0x183: {  	v0 =	vmov @!p0 s2  }
0x184: {  	s3 =	simm.s32 @!p0 $0xC00;
	s2 =	simm.s32 @!p0 $0x0;
	[tilespmem:$0xC00] =	vst @!p0 v0  }
0x185: {  	[hbm4b:s1+s2] =	stream.linear.scatter @!p0 [tilespmem:s3], [sflag:$0x2], $0x80, $0x38;
	[tilespmem:$0x1590] =	vst v63  }
0x186: {  	_ =	swait.ge @!p0 [sflag:s4], $0x80  }
0x187: {  	[sflag:s4] =	ssyncset.done @!p0 $0x0  }
0x188: {  	[sflag:s4] =	ssyncadd.s32 @!p0 $0xFFFFFF80  }
0x189: {  	_ =	sfence.sel @!p0 $0x180000  }
0x18a: {  	[bflag:$0x0] =	sbarrier.arrive @!p0 $0xFFFF  }
0x18b: {  	_ =	strace @!p0 $0x90000047  }
0x18c: {  	s0 =	sadd.s32 @!p0 $0x100000, s0;
	[bflag:$0x2] =	sbarrier.arrive @!p0 $0xFFFF  }
0x18d: {  	[sflag:s0] =	ssyncadd.tile.s32 @!p0 $0x1;
	_ =	shalt  }
.Lfunc_end2:
_tile_overlayer_lowered:
.L_overlay_start_2:
0x18e: {  	(tag) =	ssettag $0x2  }
0x18f: {  	s0 =	rddreg [dreg:$0x0];
	s2 =	stileid.u32  }
0x190: {  	s1 =	rddreg [dreg:$0x1];
	p0 =	sne.s32 s2, $0x0  }
0x191: {  	s3 =	rddreg [dreg:$0x2];
	[bflag:$0x3] =	sbarrier.arrive $0xFFFF;
	s2 =	simm.s32 @!p0 $0x1C02  }
0x192: {  	[timem:s3], [sflag:s2] =	dma.local @!p0 [hbm:s0], s1  }
0x193: {  	s0 =	simm.s32 @!p0 $0x2  }
0x194: {  	_ =	swait.ge @!p0 [sflag:s0], s1  }
0x195: {  	s1 =	ssub.s32 @!p0 $0x0, s1;
	[sflag:s0] =	ssyncset.done @!p0 $0x0  }
0x196: {  	[sflag:s0] =	ssyncadd.s32 @!p0 s1  }
0x197: {  	[bflag:$0x3] =	sbarrier.arrive $0xFFFF  }
0x198: {  	_ =	shalt  }

</sc_bundles>
